<compile_context>
chip_gen: v7x
topology: tpu7x:2x2x1
jax: 0.10.2.dev20260603
libtpu: 0.0.44.dev20260713+nightly
codegen_flags: <defaults>
</compile_context>

<pallas_src>
import functools

import jax
import jax.numpy as jnp
from jax import lax
from jax.experimental import pallas as pl
from jax.experimental.pallas import tpu as pltpu
from jax.experimental.pallas import tpu_sc as plsc

B, N, C = 32, 20000, 16
LANES = 16
ANCHOR_ITERS = N // LANES


def _tc_softplus_sum(*refs):
    o_ref = refs[-1]
    @pl.when(pl.program_id(0) == 0)
    def _init():
        o_ref[0, 0] = 0.0

    def sp_sum(x):
        u = jnp.exp(-jnp.abs(x))
        return jnp.sum(jnp.maximum(x, 0.0) + jnp.log(1.0 + u))

    acc = jnp.float32(0.0)
    for r in refs[:-1]:
        acc += sp_sum(r[...])
    o_ref[0, 0] += acc


def _sc_argmax_body(a_s_hbm, a_e_hbm, gt_hbm, cls_hbm, s_hbm, bb_hbm,
                    out_hbm, va_s, va_e, vgt, vcls, vrow, vbb0, vbb1, vout,
                    shared):
    sid = lax.axis_index("s")
    b = sid * 2 + lax.axis_index("c")

    @pl.when(sid == 0)
    def _stage():
        pltpu.sync_copy(a_s_hbm, shared.at[0])
        pltpu.sync_copy(a_e_hbm, shared.at[1])

    plsc.subcore_barrier()
    pltpu.sync_copy(shared.at[0], va_s)
    pltpu.sync_copy(shared.at[1], va_e)

    iota = lax.iota(jnp.int32, LANES)

    gt_off = (2 * b // LANES) * LANES
    pltpu.sync_copy(gt_hbm.at[pl.ds(gt_off, LANES)], vgt)
    gtv = vgt[...]
    r_gt = 2 * b - gt_off
    g0 = jnp.sum(jnp.where(iota == r_gt, gtv, 0.0))
    g1 = jnp.sum(jnp.where(iota == r_gt + 1, gtv, 0.0))
    garea = g1 - g0

    def iter_body(i, carry):
        run_max, run_idx = carry
        asv = va_s[pl.ds(i * LANES, LANES)]
        aev = va_e[pl.ds(i * LANES, LANES)]
        inter = jnp.maximum(jnp.minimum(aev, g1) - jnp.maximum(asv, g0), 0.0)
        union = (aev - asv) + garea - inter
        iou = inter / union
        better = iou > run_max
        return (jnp.where(better, iou, run_max),
                jnp.where(better, i * LANES + iota, run_idx))

    run_max, run_idx = lax.fori_loop(
        0, ANCHOR_ITERS, iter_body,
        (jnp.full((LANES,), -1.0, jnp.float32),
         jnp.zeros((LANES,), jnp.int32)))
    m = jnp.max(run_max)
    best = jnp.min(jnp.where(run_max == m, run_idx, jnp.int32(2 ** 30)))

    cls_off = (b // LANES) * LANES
    pltpu.sync_copy(cls_hbm.at[pl.ds(cls_off, LANES)], vcls)
    cls = jnp.max(jnp.where(iota == b - cls_off, vcls[...], 0))
    blk = (best // 128) * 128
    pltpu.sync_copy(s_hbm.at[b, cls, pl.ds(blk, 128)], vrow)
    pltpu.sync_copy(bb_hbm.at[0, b, pl.ds(blk, 128)], vbb0)
    pltpu.sync_copy(bb_hbm.at[1, b, pl.ds(blk, 128)], vbb1)
    lane = best - blk
    l16 = (lane // LANES) * LANES
    r = lane - l16
    sval = jnp.sum(jnp.where(iota == r, vrow[pl.ds(l16, LANES)], 0.0))
    d0 = jnp.sum(jnp.where(iota == r, vbb0[pl.ds(l16, LANES)], 0.0)) - g0
    d1 = jnp.sum(jnp.where(iota == r, vbb1[pl.ds(l16, LANES)], 0.0)) - g1

    def sl1(d):
        ad = jnp.abs(d)
        return jnp.where(ad < 1.0, 0.5 * d * d, ad - 0.5)

    corr = sl1(d0) + sl1(d1) - sval
    vout[...] = jnp.where(iota == 0, corr, 0.0)
    pltpu.sync_copy(vout, out_hbm.at[pl.ds(b * LANES, LANES)])


def kernel(scores, bboxes, gt_classes, gt_bboxes, anchors):
    scores_t = jnp.transpose(scores, (0, 2, 1))
    bb_t = jnp.transpose(bboxes, (2, 0, 1))

    tc_sum = pl.pallas_call(
        _tc_softplus_sum,
        grid=(B // 4,),
        in_specs=[pl.BlockSpec((1, 8, N),
                               functools.partial(
                                   lambda k, i: (4 * i + k // 2, k % 2, 0), k))
                  for k in range(8)],
        out_specs=pl.BlockSpec(memory_space=pltpu.SMEM),
        out_shape=jax.ShapeDtypeStruct((1, 1), jnp.float32),
    )(*([scores_t] * 8))

    mesh = plsc.VectorSubcoreMesh(core_axis_name="c", subcore_axis_name="s")
    sc_kernel = functools.partial(
        pl.kernel, mesh=mesh,
        compiler_params=pltpu.CompilerParams(needs_layout_passes=False),
        out_type=jax.ShapeDtypeStruct((B * LANES,), jnp.float32),
        scratch_types=[
            pltpu.VMEM((N,), jnp.float32),
            pltpu.VMEM((N,), jnp.float32),
            pltpu.VMEM((LANES,), jnp.float32),
            pltpu.VMEM((LANES,), jnp.int32),
            pltpu.VMEM((128,), jnp.float32),
            pltpu.VMEM((128,), jnp.float32),
            pltpu.VMEM((128,), jnp.float32),
            pltpu.VMEM((LANES,), jnp.float32),
            pltpu.VMEM_SHARED((2, N), jnp.float32),
        ],
    )(_sc_argmax_body)
    corr = sc_kernel(anchors[:, 0], anchors[:, 1], gt_bboxes.reshape(-1),
                     gt_classes, scores_t, bb_t)

    return tc_sum[0, 0] + jnp.sum(corr)

# --- scband reference (transcript-rebuilt; emitter-appended) ---
"""Pipeline reference for scband-one-dobject-detection-loss-44126493999314 (READ-ONLY COPY).

The authoritative reference and input builder live on the scoring server;
editing this copy changes nothing except your own understanding.
"""

import jax, jax.numpy as jnp
import numpy as np

B, N, C = 32, 20000, 16


def setup_inputs(seed: int = 0) -> dict:
    key = jax.random.key(seed)
    k1, k2, k3, k4, k5 = jax.random.split(key, 5)
    scores = jax.random.normal(k1, (B, N, C), dtype=jnp.float32)
    bboxes = jax.random.uniform(k2, (B, N, 2), dtype=jnp.float32)
    gt_classes = jax.random.randint(k3, (B,), 0, C)
    # sort last dim so start < end (valid 1-D boxes, positive areas -> no NaN IoUs)
    gt_bboxes = jnp.sort(jax.random.uniform(k4, (B, 2), dtype=jnp.float32), axis=1)
    anchors = jnp.sort(jax.random.uniform(k5, (N, 2), dtype=jnp.float32), axis=1)
    return {"scores": scores, "bboxes": bboxes, "gt_classes": gt_classes,
            "gt_bboxes": gt_bboxes, "anchors": anchors}


def _bce_with_logits_sum(x, z):
    # numerically stable binary_cross_entropy_with_logits, reduction='sum'
    return jnp.sum(jnp.maximum(x, 0.0) - x * z + jnp.log1p(jnp.exp(-jnp.abs(x))))


def _smooth_l1_sum(a, b):
    d = a - b
    ad = jnp.abs(d)
    per = jnp.where(ad < 1.0, 0.5 * d * d, ad - 0.5)
    return jnp.sum(per)


def reference(scores, bboxes, gt_classes, gt_bboxes, anchors):
    num_anchors = anchors.shape[0]
    num_classes = scores.shape[2]
    scores = scores.reshape(-1, num_anchors, num_classes)
    gt_bboxes = gt_bboxes.reshape(-1, 2)
    gt_classes = gt_classes.reshape(-1)
    Bn = gt_bboxes.shape[0]
    # vectorized calculate_ious over all gt boxes (faithful to per-box loop)
    inter_start = jnp.maximum(anchors[None, :, 0], gt_bboxes[:, 0:1])
    inter_end = jnp.minimum(anchors[None, :, 1], gt_bboxes[:, 1:2])
    intersection = jnp.clip(inter_end - inter_start, 0.0, None)
    anchor_areas = anchors[:, 1] - anchors[:, 0]
    box_areas = gt_bboxes[:, 1] - gt_bboxes[:, 0]
    union = anchor_areas[None, :] + box_areas[:, None] - intersection
    ious = intersection / union
    best_anchors = jnp.argmax(ious, axis=1)
    rows = jnp.arange(Bn)
    scores_ready = jnp.zeros_like(scores).at[rows, best_anchors, gt_classes].set(1.0)
    bboxes_ready_full = jnp.zeros_like(bboxes).at[rows, best_anchors, :].set(gt_bboxes)
    bboxes_ready = bboxes_ready_full[rows, best_anchors, :]
    bboxes_sel = bboxes[rows, best_anchors, :]
    classification_loss = _bce_with_logits_sum(scores, scores_ready)
    regression_loss = _smooth_l1_sum(bboxes_sel, bboxes_ready)
    return classification_loss + regression_loss

if __name__ == "__main__":
    import jax
    _d = setup_inputs()
    print(jax.jit(kernel)(*tuple(_d.values())))

</pallas_src>

<mosaic_0001>
#map = affine_map<(d0, d1) -> (0)>
#map1 = affine_map<(d0, d1) -> (0, 0, 0)>
module attributes {stable_mosaic.version = 14 : i64} {
  func.func @_sc_argmax_body(%arg0: i32, %arg1: i32, %arg2: memref<20000xf32, #tpu.memory_space<hbm>>, %arg3: memref<20000xf32, #tpu.memory_space<hbm>>, %arg4: memref<64xf32, #tpu.memory_space<hbm>>, %arg5: memref<32xi32, #tpu.memory_space<hbm>>, %arg6: memref<32x16x20000xf32, #tpu.memory_space<hbm>>, %arg7: memref<2x32x20000xf32, #tpu.memory_space<hbm>>, %arg8: memref<512xf32, #tpu.memory_space<hbm>>, %arg9: memref<20000xf32, #tpu.memory_space<vmem>>, %arg10: memref<20000xf32, #tpu.memory_space<vmem>>, %arg11: memref<16xf32, #tpu.memory_space<vmem>>, %arg12: memref<16xi32, #tpu.memory_space<vmem>>, %arg13: memref<128xf32, #tpu.memory_space<vmem>>, %arg14: memref<128xf32, #tpu.memory_space<vmem>>, %arg15: memref<128xf32, #tpu.memory_space<vmem>>, %arg16: memref<16xf32, #tpu.memory_space<vmem>>, %arg17: memref<2x20000xf32, #tpu.memory_space<vmem_shared>>) attributes {dimension_semantics = [#tpu.dimension_semantics<core_parallel>, #tpu.dimension_semantics<subcore_parallel>], iteration_bounds = array<i64: 2, 16>, scalar_prefetch = 0 : i64, scratch_operands = 9 : i64, tpu.core_type = #tpu.core_type<sc_vector_subcore>, window_params = [{transform_indices = #map}, {transform_indices = #map}, {transform_indices = #map}, {transform_indices = #map}, {transform_indices = #map1}, {transform_indices = #map1}, {transform_indices = #map}]} {
    %mul3A = arith.constant 2 : i32
    %mul3A_0 = arith.muli %arg1, %mul3A : i32
    %add3A = arith.addi %mul3A_0, %arg0 : i32
    %eq3A = arith.constant 0 : i32
    %eq3A_1 = arith.cmpi eq, %arg1, %eq3A : i32
    %convert_element_type3A = arith.extui %eq3A_1 : i1 to i32
    %cond3A = arith.constant 0 : i32
    %cond3A_2 = arith.cmpi ne, %convert_element_type3A, %cond3A : i32
    scf.if %cond3A_2 {
      %run_scoped3A_232 = arith.constant 0 : i32
      "tpu.region"() ({
        %run_scoped3A_234 = tpu.sem_alloc : memref<!tpu.dma_semaphore, #tpu.memory_space<semaphore_mem>>
        %dma_start3A = arith.constant 0 : i32
        %dma_start3A_235 = tpu.memref_slice %arg17[%run_scoped3A_232, %dma_start3A] : memref<2x20000xf32, #tpu.memory_space<vmem_shared>> -> memref<1x20000xf32, #tpu.memory_space<vmem_shared>>
        %dma_start3A_236 = tpu.memref_squeeze %dma_start3A_235 : memref<1x20000xf32, #tpu.memory_space<vmem_shared>> -> memref<20000xf32, #tpu.memory_space<vmem_shared>>
        tpu.enqueue_dma source(%arg2 : memref<20000xf32, #tpu.memory_space<hbm>>) target(%dma_start3A_236 : memref<20000xf32, #tpu.memory_space<vmem_shared>>) target_semaphore(%run_scoped3A_234 : memref<!tpu.dma_semaphore, #tpu.memory_space<semaphore_mem>>)
        %dma_wait3A = arith.constant 0 : i32
        %dma_wait3A_237 = tpu.memref_slice %arg17[%run_scoped3A_232, %dma_wait3A] : memref<2x20000xf32, #tpu.memory_space<vmem_shared>> -> memref<1x20000xf32, #tpu.memory_space<vmem_shared>>
        %dma_wait3A_238 = tpu.memref_squeeze %dma_wait3A_237 : memref<1x20000xf32, #tpu.memory_space<vmem_shared>> -> memref<20000xf32, #tpu.memory_space<vmem_shared>>
        tpu.wait_dma2 semaphore(%run_scoped3A_234 : memref<!tpu.dma_semaphore, #tpu.memory_space<semaphore_mem>>) src(%arg2 : memref<20000xf32, #tpu.memory_space<hbm>>) dst(%dma_wait3A_238 : memref<20000xf32, #tpu.memory_space<vmem_shared>>)
        tpu.yield
      }) : () -> ()
      %run_scoped3A_233 = arith.constant 1 : i32
      "tpu.region"() ({
        %run_scoped3A_234 = tpu.sem_alloc : memref<!tpu.dma_semaphore, #tpu.memory_space<semaphore_mem>>
        %dma_start3A = arith.constant 0 : i32
        %dma_start3A_235 = tpu.memref_slice %arg17[%run_scoped3A_233, %dma_start3A] : memref<2x20000xf32, #tpu.memory_space<vmem_shared>> -> memref<1x20000xf32, #tpu.memory_space<vmem_shared>>
        %dma_start3A_236 = tpu.memref_squeeze %dma_start3A_235 : memref<1x20000xf32, #tpu.memory_space<vmem_shared>> -> memref<20000xf32, #tpu.memory_space<vmem_shared>>
        tpu.enqueue_dma source(%arg3 : memref<20000xf32, #tpu.memory_space<hbm>>) target(%dma_start3A_236 : memref<20000xf32, #tpu.memory_space<vmem_shared>>) target_semaphore(%run_scoped3A_234 : memref<!tpu.dma_semaphore, #tpu.memory_space<semaphore_mem>>)
        %dma_wait3A = arith.constant 0 : i32
        %dma_wait3A_237 = tpu.memref_slice %arg17[%run_scoped3A_233, %dma_wait3A] : memref<2x20000xf32, #tpu.memory_space<vmem_shared>> -> memref<1x20000xf32, #tpu.memory_space<vmem_shared>>
        %dma_wait3A_238 = tpu.memref_squeeze %dma_wait3A_237 : memref<1x20000xf32, #tpu.memory_space<vmem_shared>> -> memref<20000xf32, #tpu.memory_space<vmem_shared>>
        tpu.wait_dma2 semaphore(%run_scoped3A_234 : memref<!tpu.dma_semaphore, #tpu.memory_space<semaphore_mem>>) src(%arg3 : memref<20000xf32, #tpu.memory_space<hbm>>) dst(%dma_wait3A_238 : memref<20000xf32, #tpu.memory_space<vmem_shared>>)
        tpu.yield
      }) : () -> ()
    } else {
    }
    %barrier3A = arith.constant 0 : index
    tpu.barrier barrier_id(%barrier3A)
    %run_scoped3A = arith.constant 0 : i32
    "tpu.region"() ({
      %run_scoped3A_232 = tpu.sem_alloc : memref<!tpu.dma_semaphore, #tpu.memory_space<semaphore_mem>>
      %dma_start3A = arith.constant 0 : i32
      %dma_start3A_233 = tpu.memref_slice %arg17[%run_scoped3A, %dma_start3A] : memref<2x20000xf32, #tpu.memory_space<vmem_shared>> -> memref<1x20000xf32, #tpu.memory_space<vmem_shared>>
      %dma_start3A_234 = tpu.memref_squeeze %dma_start3A_233 : memref<1x20000xf32, #tpu.memory_space<vmem_shared>> -> memref<20000xf32, #tpu.memory_space<vmem_shared>>
      %dma_start3A_235 = arith.constant 0 : i32
      %dma_start3A_236 = tpu.memref_slice %arg17[%run_scoped3A, %dma_start3A_235] : memref<2x20000xf32, #tpu.memory_space<vmem_shared>> -> memref<1x20000xf32, #tpu.memory_space<vmem_shared>>
      %dma_start3A_237 = tpu.memref_squeeze %dma_start3A_236 : memref<1x20000xf32, #tpu.memory_space<vmem_shared>> -> memref<20000xf32, #tpu.memory_space<vmem_shared>>
      tpu.enqueue_dma source(%dma_start3A_237 : memref<20000xf32, #tpu.memory_space<vmem_shared>>) target(%arg9 : memref<20000xf32, #tpu.memory_space<vmem>>) target_semaphore(%run_scoped3A_232 : memref<!tpu.dma_semaphore, #tpu.memory_space<semaphore_mem>>)
      %dma_wait3A = arith.constant 0 : i32
      %dma_wait3A_238 = tpu.memref_slice %arg17[%run_scoped3A, %dma_wait3A] : memref<2x20000xf32, #tpu.memory_space<vmem_shared>> -> memref<1x20000xf32, #tpu.memory_space<vmem_shared>>
      %dma_wait3A_239 = tpu.memref_squeeze %dma_wait3A_238 : memref<1x20000xf32, #tpu.memory_space<vmem_shared>> -> memref<20000xf32, #tpu.memory_space<vmem_shared>>
      %dma_wait3A_240 = arith.constant 0 : i32
      %dma_wait3A_241 = tpu.memref_slice %arg17[%run_scoped3A, %dma_wait3A_240] : memref<2x20000xf32, #tpu.memory_space<vmem_shared>> -> memref<1x20000xf32, #tpu.memory_space<vmem_shared>>
      %dma_wait3A_242 = tpu.memref_squeeze %dma_wait3A_241 : memref<1x20000xf32, #tpu.memory_space<vmem_shared>> -> memref<20000xf32, #tpu.memory_space<vmem_shared>>
      tpu.wait_dma2 semaphore(%run_scoped3A_232 : memref<!tpu.dma_semaphore, #tpu.memory_space<semaphore_mem>>) src(%dma_wait3A_242 : memref<20000xf32, #tpu.memory_space<vmem_shared>>) dst(%arg9 : memref<20000xf32, #tpu.memory_space<vmem>>)
      tpu.yield
    }) : () -> ()
    %run_scoped3A_3 = arith.constant 1 : i32
    "tpu.region"() ({
      %run_scoped3A_232 = tpu.sem_alloc : memref<!tpu.dma_semaphore, #tpu.memory_space<semaphore_mem>>
      %dma_start3A = arith.constant 0 : i32
      %dma_start3A_233 = tpu.memref_slice %arg17[%run_scoped3A_3, %dma_start3A] : memref<2x20000xf32, #tpu.memory_space<vmem_shared>> -> memref<1x20000xf32, #tpu.memory_space<vmem_shared>>
      %dma_start3A_234 = tpu.memref_squeeze %dma_start3A_233 : memref<1x20000xf32, #tpu.memory_space<vmem_shared>> -> memref<20000xf32, #tpu.memory_space<vmem_shared>>
      %dma_start3A_235 = arith.constant 0 : i32
      %dma_start3A_236 = tpu.memref_slice %arg17[%run_scoped3A_3, %dma_start3A_235] : memref<2x20000xf32, #tpu.memory_space<vmem_shared>> -> memref<1x20000xf32, #tpu.memory_space<vmem_shared>>
      %dma_start3A_237 = tpu.memref_squeeze %dma_start3A_236 : memref<1x20000xf32, #tpu.memory_space<vmem_shared>> -> memref<20000xf32, #tpu.memory_space<vmem_shared>>
      tpu.enqueue_dma source(%dma_start3A_237 : memref<20000xf32, #tpu.memory_space<vmem_shared>>) target(%arg10 : memref<20000xf32, #tpu.memory_space<vmem>>) target_semaphore(%run_scoped3A_232 : memref<!tpu.dma_semaphore, #tpu.memory_space<semaphore_mem>>)
      %dma_wait3A = arith.constant 0 : i32
      %dma_wait3A_238 = tpu.memref_slice %arg17[%run_scoped3A_3, %dma_wait3A] : memref<2x20000xf32, #tpu.memory_space<vmem_shared>> -> memref<1x20000xf32, #tpu.memory_space<vmem_shared>>
      %dma_wait3A_239 = tpu.memref_squeeze %dma_wait3A_238 : memref<1x20000xf32, #tpu.memory_space<vmem_shared>> -> memref<20000xf32, #tpu.memory_space<vmem_shared>>
      %dma_wait3A_240 = arith.constant 0 : i32
      %dma_wait3A_241 = tpu.memref_slice %arg17[%run_scoped3A_3, %dma_wait3A_240] : memref<2x20000xf32, #tpu.memory_space<vmem_shared>> -> memref<1x20000xf32, #tpu.memory_space<vmem_shared>>
      %dma_wait3A_242 = tpu.memref_squeeze %dma_wait3A_241 : memref<1x20000xf32, #tpu.memory_space<vmem_shared>> -> memref<20000xf32, #tpu.memory_space<vmem_shared>>
      tpu.wait_dma2 semaphore(%run_scoped3A_232 : memref<!tpu.dma_semaphore, #tpu.memory_space<semaphore_mem>>) src(%dma_wait3A_242 : memref<20000xf32, #tpu.memory_space<vmem_shared>>) dst(%arg10 : memref<20000xf32, #tpu.memory_space<vmem>>)
      tpu.yield
    }) : () -> ()
    %iota3A = tpu.iota {dimensions = array<i32: 0>} : vector<16xi32>
    %mul3A_4 = arith.constant 2 : i32
    %mul3A_5 = arith.muli %mul3A_4, %add3A : i32
    %jit3A = arith.constant 16 : i32
    %div3A = arith.divsi %mul3A_5, %jit3A : i32
    %sign3A = arith.constant 0 : i32
    %sign3A_6 = arith.cmpi sgt, %mul3A_5, %sign3A : i32
    %sign3A_7 = arith.extui %sign3A_6 : i1 to i32
    %sign3A_8 = arith.constant 0 : i32
    %sign3A_9 = arith.cmpi slt, %mul3A_5, %sign3A_8 : i32
    %sign3A_10 = arith.extui %sign3A_9 : i1 to i32
    %sign3A_11 = arith.subi %sign3A_7, %sign3A_10 : i32
    %sign3A_12 = arith.constant 0 : i32
    %sign3A_13 = arith.cmpi sgt, %jit3A, %sign3A_12 : i32
    %sign3A_14 = arith.extui %sign3A_13 : i1 to i32
    %sign3A_15 = arith.constant 0 : i32
    %sign3A_16 = arith.cmpi slt, %jit3A, %sign3A_15 : i32
    %sign3A_17 = arith.extui %sign3A_16 : i1 to i32
    %sign3A_18 = arith.subi %sign3A_14, %sign3A_17 : i32
    %ne3A = arith.cmpi ne, %sign3A_11, %sign3A_18 : i32
    %rem3A = arith.remsi %mul3A_5, %jit3A : i32
    %ne3A_19 = arith.constant 0 : i32
    %ne3A_20 = arith.cmpi ne, %rem3A, %ne3A_19 : i32
    %and3A = arith.andi %ne3A, %ne3A_20 : i1
    %sub3A = arith.constant 1 : i32
    %sub3A_21 = arith.subi %div3A, %sub3A : i32
    %select_n3A = arith.select %and3A, %sub3A_21, %div3A : i32
    %mul3A_22 = arith.constant 16 : i32
    %mul3A_23 = arith.muli %select_n3A, %mul3A_22 : i32
    "tpu.region"() ({
      %run_scoped3A_232 = tpu.sem_alloc : memref<!tpu.dma_semaphore, #tpu.memory_space<semaphore_mem>>
      %dma_start3A = tpu.memref_slice %arg4[%mul3A_23] : memref<64xf32, #tpu.memory_space<hbm>> -> memref<16xf32, #tpu.memory_space<hbm>>
      %dma_start3A_233 = tpu.memref_slice %arg4[%mul3A_23] : memref<64xf32, #tpu.memory_space<hbm>> -> memref<16xf32, #tpu.memory_space<hbm>>
      tpu.enqueue_dma source(%dma_start3A_233 : memref<16xf32, #tpu.memory_space<hbm>>) target(%arg11 : memref<16xf32, #tpu.memory_space<vmem>>) target_semaphore(%run_scoped3A_232 : memref<!tpu.dma_semaphore, #tpu.memory_space<semaphore_mem>>)
      %dma_wait3A = tpu.memref_slice %arg4[%mul3A_23] : memref<64xf32, #tpu.memory_space<hbm>> -> memref<16xf32, #tpu.memory_space<hbm>>
      %dma_wait3A_234 = tpu.memref_slice %arg4[%mul3A_23] : memref<64xf32, #tpu.memory_space<hbm>> -> memref<16xf32, #tpu.memory_space<hbm>>
      tpu.wait_dma2 semaphore(%run_scoped3A_232 : memref<!tpu.dma_semaphore, #tpu.memory_space<semaphore_mem>>) src(%dma_wait3A_234 : memref<16xf32, #tpu.memory_space<hbm>>) dst(%arg11 : memref<16xf32, #tpu.memory_space<vmem>>)
      tpu.yield
    }) : () -> ()
    %get3A = arith.constant 0 : index
    %get3A_24 = tpu.vector_load %arg11[%get3A] {strides = array<i32>} : memref<16xf32, #tpu.memory_space<vmem>>, vector<16xf32>,
    %mul3A_25 = arith.constant 2 : i32
    %mul3A_26 = arith.muli %mul3A_25, %add3A : i32
    %sub3A_27 = arith.subi %mul3A_26, %mul3A_23 : i32
    %eq3A_28 = vector.broadcast %sub3A_27 : i32 to vector<16xi32>
    %eq3A_29 = arith.cmpi eq, %iota3A, %eq3A_28 : vector<16xi32>
    %jit3A_30 = arith.constant 0.000000e+00 : f32
    %broadcast_in_dim3A = vector.broadcast %jit3A_30 : f32 to vector<16xf32>
    %select_n3A_31 = arith.select %eq3A_29, %get3A_24, %broadcast_in_dim3A : vector<16xi1>, vector<16xf32>
    %reduce_sum3A = arith.constant true
    %reduce_sum3A_32 = vector.broadcast %reduce_sum3A : i1 to vector<16xi1>
    %reduce_sum3A_33 = tpu.scan <sum>, %select_n3A_31 masked %reduce_sum3A_32 : vector<16xf32>, vector<16xi1> -> vector<16xf32>
    %reduce_sum3A_34 = vector.extract %reduce_sum3A_33[15] : f32 from vector<16xf32>
    %add3A_35 = arith.constant 1 : i32
    %add3A_36 = arith.addi %sub3A_27, %add3A_35 : i32
    %eq3A_37 = vector.broadcast %add3A_36 : i32 to vector<16xi32>
    %eq3A_38 = arith.cmpi eq, %iota3A, %eq3A_37 : vector<16xi32>
    %jit3A_39 = arith.constant 0.000000e+00 : f32
    %broadcast_in_dim3A_40 = vector.broadcast %jit3A_39 : f32 to vector<16xf32>
    %select_n3A_41 = arith.select %eq3A_38, %get3A_24, %broadcast_in_dim3A_40 : vector<16xi1>, vector<16xf32>
    %reduce_sum3A_42 = arith.constant true
    %reduce_sum3A_43 = vector.broadcast %reduce_sum3A_42 : i1 to vector<16xi1>
    %reduce_sum3A_44 = tpu.scan <sum>, %select_n3A_41 masked %reduce_sum3A_43 : vector<16xf32>, vector<16xi1> -> vector<16xf32>
    %reduce_sum3A_45 = vector.extract %reduce_sum3A_44[15] : f32 from vector<16xf32>
    %sub3A_46 = arith.subf %reduce_sum3A_45, %reduce_sum3A_34 : f32
    %broadcast_in_dim3A_47 = arith.constant -1.000000e+00 : f32
    %broadcast_in_dim3A_48 = vector.broadcast %broadcast_in_dim3A_47 : f32 to vector<16xf32>
    %broadcast_in_dim3A_49 = arith.constant 0 : i32
    %broadcast_in_dim3A_50 = vector.broadcast %broadcast_in_dim3A_49 : i32 to vector<16xi32>
    %scan3A = arith.constant 0 : i32
    %scan3A_51 = arith.constant 1250 : i32
    %scan3A_52 = arith.addi %scan3A, %scan3A_51 : i32
    %scan3A_53 = arith.constant 1 : i32
    %scan3A_54:2 = scf.for %scan3A_232 = %scan3A to %scan3A_52 step %scan3A_53 iter_args(%scan3A_233 = %broadcast_in_dim3A_48, %scan3A_234 = %broadcast_in_dim3A_50) -> (vector<16xf32>, vector<16xi32>)  : i32 {
      %mul3A_235 = arith.constant 16 : i32
      %mul3A_236 = arith.muli %scan3A_232, %mul3A_235 : i32
      %get3A_237 = arith.index_cast %mul3A_236 : i32 to index
      %get3A_238 = tpu.vector_load %arg9[%get3A_237] {strides = array<i32>} : memref<20000xf32, #tpu.memory_space<vmem>>, vector<16xf32>,
      %mul3A_239 = arith.constant 16 : i32
      %mul3A_240 = arith.muli %scan3A_232, %mul3A_239 : i32
      %get3A_241 = arith.index_cast %mul3A_240 : i32 to index
      %get3A_242 = tpu.vector_load %arg10[%get3A_241] {strides = array<i32>} : memref<20000xf32, #tpu.memory_space<vmem>>, vector<16xf32>,
      %min3A = vector.broadcast %reduce_sum3A_45 : f32 to vector<16xf32>
      %min3A_243 = arith.minimumf %get3A_242, %min3A : vector<16xf32>
      %max3A = vector.broadcast %reduce_sum3A_34 : f32 to vector<16xf32>
      %max3A_244 = arith.maximumf %get3A_238, %max3A : vector<16xf32>
      %sub3A_245 = arith.subf %min3A_243, %max3A_244 : vector<16xf32>
      %max3A_246 = arith.constant 0.000000e+00 : f32
      %max3A_247 = vector.broadcast %max3A_246 : f32 to vector<16xf32>
      %max3A_248 = arith.maximumf %sub3A_245, %max3A_247 : vector<16xf32>
      %sub3A_249 = arith.subf %get3A_242, %get3A_238 : vector<16xf32>
      %add3A_250 = vector.broadcast %sub3A_46 : f32 to vector<16xf32>
      %add3A_251 = arith.addf %sub3A_249, %add3A_250 : vector<16xf32>
      %sub3A_252 = arith.subf %add3A_251, %max3A_248 : vector<16xf32>
      %div3A_253 = arith.divf %max3A_248, %sub3A_252 : vector<16xf32>
      %gt3A = arith.cmpf ogt, %div3A_253, %scan3A_233 : vector<16xf32>
      %select_n3A_254 = arith.select %gt3A, %div3A_253, %scan3A_233 : vector<16xi1>, vector<16xf32>
      %mul3A_255 = arith.constant 16 : i32
      %mul3A_256 = arith.muli %scan3A_232, %mul3A_255 : i32
      %add3A_257 = vector.broadcast %mul3A_256 : i32 to vector<16xi32>
      %add3A_258 = arith.addi %add3A_257, %iota3A : vector<16xi32>
      %select_n3A_259 = arith.select %gt3A, %add3A_258, %scan3A_234 : vector<16xi1>, vector<16xi32>
      scf.yield %select_n3A_254, %select_n3A_259 : vector<16xf32>, vector<16xi32>
    }
    %scan3A_55 = arith.constant 1250 : i32
    %reduce_max3A = arith.constant true
    %reduce_max3A_56 = vector.broadcast %reduce_max3A : i1 to vector<16xi1>
    %reduce_max3A_57 = tpu.scan <max>, %scan3A_54#0 masked %reduce_max3A_56 : vector<16xf32>, vector<16xi1> -> vector<16xf32>
    %reduce_max3A_58 = vector.extract %reduce_max3A_57[15] : f32 from vector<16xf32>
    %eq3A_59 = vector.broadcast %reduce_max3A_58 : f32 to vector<16xf32>
    %eq3A_60 = arith.cmpf oeq, %scan3A_54#0, %eq3A_59 : vector<16xf32>
    %jit3A_61 = arith.constant 1073741824 : i32
    %broadcast_in_dim3A_62 = vector.broadcast %jit3A_61 : i32 to vector<16xi32>
    %select_n3A_63 = arith.select %eq3A_60, %scan3A_54#1, %broadcast_in_dim3A_62 : vector<16xi1>, vector<16xi32>
    %reduce_min3A = arith.constant true
    %reduce_min3A_64 = vector.broadcast %reduce_min3A : i1 to vector<16xi1>
    %reduce_min3A_65 = arith.constant -2147483648 : i32
    %reduce_min3A_66 = vector.broadcast %reduce_min3A_65 : i32 to vector<16xi32>
    %reduce_min3A_67 = arith.xori %select_n3A_63, %reduce_min3A_66 : vector<16xi32>
    %reduce_min3A_68 = tpu.scan <min>, %reduce_min3A_67 masked %reduce_min3A_64 : vector<16xi32>, vector<16xi1> -> vector<16xi32>
    %reduce_min3A_69 = arith.xori %reduce_min3A_68, %reduce_min3A_66 : vector<16xi32>
    %reduce_min3A_70 = vector.extract %reduce_min3A_69[15] : i32 from vector<16xi32>
    %jit3A_71 = arith.constant 16 : i32
    %div3A_72 = arith.divsi %add3A, %jit3A_71 : i32
    %sign3A_73 = arith.constant 0 : i32
    %sign3A_74 = arith.cmpi sgt, %add3A, %sign3A_73 : i32
    %sign3A_75 = arith.extui %sign3A_74 : i1 to i32
    %sign3A_76 = arith.constant 0 : i32
    %sign3A_77 = arith.cmpi slt, %add3A, %sign3A_76 : i32
    %sign3A_78 = arith.extui %sign3A_77 : i1 to i32
    %sign3A_79 = arith.subi %sign3A_75, %sign3A_78 : i32
    %sign3A_80 = arith.constant 0 : i32
    %sign3A_81 = arith.cmpi sgt, %jit3A_71, %sign3A_80 : i32
    %sign3A_82 = arith.extui %sign3A_81 : i1 to i32
    %sign3A_83 = arith.constant 0 : i32
    %sign3A_84 = arith.cmpi slt, %jit3A_71, %sign3A_83 : i32
    %sign3A_85 = arith.extui %sign3A_84 : i1 to i32
    %sign3A_86 = arith.subi %sign3A_82, %sign3A_85 : i32
    %ne3A_87 = arith.cmpi ne, %sign3A_79, %sign3A_86 : i32
    %rem3A_88 = arith.remsi %add3A, %jit3A_71 : i32
    %ne3A_89 = arith.constant 0 : i32
    %ne3A_90 = arith.cmpi ne, %rem3A_88, %ne3A_89 : i32
    %and3A_91 = arith.andi %ne3A_87, %ne3A_90 : i1
    %sub3A_92 = arith.constant 1 : i32
    %sub3A_93 = arith.subi %div3A_72, %sub3A_92 : i32
    %select_n3A_94 = arith.select %and3A_91, %sub3A_93, %div3A_72 : i32
    %mul3A_95 = arith.constant 16 : i32
    %mul3A_96 = arith.muli %select_n3A_94, %mul3A_95 : i32
    "tpu.region"() ({
      %run_scoped3A_232 = tpu.sem_alloc : memref<!tpu.dma_semaphore, #tpu.memory_space<semaphore_mem>>
      %dma_start3A = tpu.memref_slice %arg5[%mul3A_96] : memref<32xi32, #tpu.memory_space<hbm>> -> memref<16xi32, #tpu.memory_space<hbm>>
      %dma_start3A_233 = tpu.memref_slice %arg5[%mul3A_96] : memref<32xi32, #tpu.memory_space<hbm>> -> memref<16xi32, #tpu.memory_space<hbm>>
      tpu.enqueue_dma source(%dma_start3A_233 : memref<16xi32, #tpu.memory_space<hbm>>) target(%arg12 : memref<16xi32, #tpu.memory_space<vmem>>) target_semaphore(%run_scoped3A_232 : memref<!tpu.dma_semaphore, #tpu.memory_space<semaphore_mem>>)
      %dma_wait3A = tpu.memref_slice %arg5[%mul3A_96] : memref<32xi32, #tpu.memory_space<hbm>> -> memref<16xi32, #tpu.memory_space<hbm>>
      %dma_wait3A_234 = tpu.memref_slice %arg5[%mul3A_96] : memref<32xi32, #tpu.memory_space<hbm>> -> memref<16xi32, #tpu.memory_space<hbm>>
      tpu.wait_dma2 semaphore(%run_scoped3A_232 : memref<!tpu.dma_semaphore, #tpu.memory_space<semaphore_mem>>) src(%dma_wait3A_234 : memref<16xi32, #tpu.memory_space<hbm>>) dst(%arg12 : memref<16xi32, #tpu.memory_space<vmem>>)
      tpu.yield
    }) : () -> ()
    %sub3A_97 = arith.subi %add3A, %mul3A_96 : i32
    %eq3A_98 = vector.broadcast %sub3A_97 : i32 to vector<16xi32>
    %eq3A_99 = arith.cmpi eq, %iota3A, %eq3A_98 : vector<16xi32>
    %get3A_100 = arith.constant 0 : index
    %get3A_101 = tpu.vector_load %arg12[%get3A_100] {strides = array<i32>} : memref<16xi32, #tpu.memory_space<vmem>>, vector<16xi32>,
    %jit3A_102 = arith.constant 0 : i32
    %broadcast_in_dim3A_103 = vector.broadcast %jit3A_102 : i32 to vector<16xi32>
    %select_n3A_104 = arith.select %eq3A_99, %get3A_101, %broadcast_in_dim3A_103 : vector<16xi1>, vector<16xi32>
    %reduce_max3A_105 = arith.constant true
    %reduce_max3A_106 = vector.broadcast %reduce_max3A_105 : i1 to vector<16xi1>
    %reduce_max3A_107 = arith.constant -2147483648 : i32
    %reduce_max3A_108 = vector.broadcast %reduce_max3A_107 : i32 to vector<16xi32>
    %reduce_max3A_109 = arith.xori %select_n3A_104, %reduce_max3A_108 : vector<16xi32>
    %reduce_max3A_110 = tpu.scan <max>, %reduce_max3A_109 masked %reduce_max3A_106 : vector<16xi32>, vector<16xi1> -> vector<16xi32>
    %reduce_max3A_111 = arith.xori %reduce_max3A_110, %reduce_max3A_108 : vector<16xi32>
    %reduce_max3A_112 = vector.extract %reduce_max3A_111[15] : i32 from vector<16xi32>
    %jit3A_113 = arith.constant 128 : i32
    %div3A_114 = arith.divsi %reduce_min3A_70, %jit3A_113 : i32
    %sign3A_115 = arith.constant 0 : i32
    %sign3A_116 = arith.cmpi sgt, %reduce_min3A_70, %sign3A_115 : i32
    %sign3A_117 = arith.extui %sign3A_116 : i1 to i32
    %sign3A_118 = arith.constant 0 : i32
    %sign3A_119 = arith.cmpi slt, %reduce_min3A_70, %sign3A_118 : i32
    %sign3A_120 = arith.extui %sign3A_119 : i1 to i32
    %sign3A_121 = arith.subi %sign3A_117, %sign3A_120 : i32
    %sign3A_122 = arith.constant 0 : i32
    %sign3A_123 = arith.cmpi sgt, %jit3A_113, %sign3A_122 : i32
    %sign3A_124 = arith.extui %sign3A_123 : i1 to i32
    %sign3A_125 = arith.constant 0 : i32
    %sign3A_126 = arith.cmpi slt, %jit3A_113, %sign3A_125 : i32
    %sign3A_127 = arith.extui %sign3A_126 : i1 to i32
    %sign3A_128 = arith.subi %sign3A_124, %sign3A_127 : i32
    %ne3A_129 = arith.cmpi ne, %sign3A_121, %sign3A_128 : i32
    %rem3A_130 = arith.remsi %reduce_min3A_70, %jit3A_113 : i32
    %ne3A_131 = arith.constant 0 : i32
    %ne3A_132 = arith.cmpi ne, %rem3A_130, %ne3A_131 : i32
    %and3A_133 = arith.andi %ne3A_129, %ne3A_132 : i1
    %sub3A_134 = arith.constant 1 : i32
    %sub3A_135 = arith.subi %div3A_114, %sub3A_134 : i32
    %select_n3A_136 = arith.select %and3A_133, %sub3A_135, %div3A_114 : i32
    %mul3A_137 = arith.constant 128 : i32
    %mul3A_138 = arith.muli %select_n3A_136, %mul3A_137 : i32
    "tpu.region"() ({
      %run_scoped3A_232 = tpu.sem_alloc : memref<!tpu.dma_semaphore, #tpu.memory_space<semaphore_mem>>
      %dma_start3A = tpu.memref_slice %arg6[%add3A, %reduce_max3A_112, %mul3A_138] : memref<32x16x20000xf32, #tpu.memory_space<hbm>> -> memref<1x1x128xf32, #tpu.memory_space<hbm>>
      %dma_start3A_233 = tpu.memref_squeeze %dma_start3A : memref<1x1x128xf32, #tpu.memory_space<hbm>> -> memref<128xf32, #tpu.memory_space<hbm>>
      %dma_start3A_234 = tpu.memref_slice %arg6[%add3A, %reduce_max3A_112, %mul3A_138] : memref<32x16x20000xf32, #tpu.memory_space<hbm>> -> memref<1x1x128xf32, #tpu.memory_space<hbm>>
      %dma_start3A_235 = tpu.memref_squeeze %dma_start3A_234 : memref<1x1x128xf32, #tpu.memory_space<hbm>> -> memref<128xf32, #tpu.memory_space<hbm>>
      tpu.enqueue_dma source(%dma_start3A_235 : memref<128xf32, #tpu.memory_space<hbm>>) target(%arg13 : memref<128xf32, #tpu.memory_space<vmem>>) target_semaphore(%run_scoped3A_232 : memref<!tpu.dma_semaphore, #tpu.memory_space<semaphore_mem>>)
      %dma_wait3A = tpu.memref_slice %arg6[%add3A, %reduce_max3A_112, %mul3A_138] : memref<32x16x20000xf32, #tpu.memory_space<hbm>> -> memref<1x1x128xf32, #tpu.memory_space<hbm>>
      %dma_wait3A_236 = tpu.memref_squeeze %dma_wait3A : memref<1x1x128xf32, #tpu.memory_space<hbm>> -> memref<128xf32, #tpu.memory_space<hbm>>
      %dma_wait3A_237 = tpu.memref_slice %arg6[%add3A, %reduce_max3A_112, %mul3A_138] : memref<32x16x20000xf32, #tpu.memory_space<hbm>> -> memref<1x1x128xf32, #tpu.memory_space<hbm>>
      %dma_wait3A_238 = tpu.memref_squeeze %dma_wait3A_237 : memref<1x1x128xf32, #tpu.memory_space<hbm>> -> memref<128xf32, #tpu.memory_space<hbm>>
      tpu.wait_dma2 semaphore(%run_scoped3A_232 : memref<!tpu.dma_semaphore, #tpu.memory_space<semaphore_mem>>) src(%dma_wait3A_238 : memref<128xf32, #tpu.memory_space<hbm>>) dst(%arg13 : memref<128xf32, #tpu.memory_space<vmem>>)
      tpu.yield
    }) : () -> ()
    %run_scoped3A_139 = arith.constant 0 : i32
    "tpu.region"() ({
      %run_scoped3A_232 = tpu.sem_alloc : memref<!tpu.dma_semaphore, #tpu.memory_space<semaphore_mem>>
      %dma_start3A = tpu.memref_slice %arg7[%run_scoped3A_139, %add3A, %mul3A_138] : memref<2x32x20000xf32, #tpu.memory_space<hbm>> -> memref<1x1x128xf32, #tpu.memory_space<hbm>>
      %dma_start3A_233 = tpu.memref_squeeze %dma_start3A : memref<1x1x128xf32, #tpu.memory_space<hbm>> -> memref<128xf32, #tpu.memory_space<hbm>>
      %dma_start3A_234 = tpu.memref_slice %arg7[%run_scoped3A_139, %add3A, %mul3A_138] : memref<2x32x20000xf32, #tpu.memory_space<hbm>> -> memref<1x1x128xf32, #tpu.memory_space<hbm>>
      %dma_start3A_235 = tpu.memref_squeeze %dma_start3A_234 : memref<1x1x128xf32, #tpu.memory_space<hbm>> -> memref<128xf32, #tpu.memory_space<hbm>>
      tpu.enqueue_dma source(%dma_start3A_235 : memref<128xf32, #tpu.memory_space<hbm>>) target(%arg14 : memref<128xf32, #tpu.memory_space<vmem>>) target_semaphore(%run_scoped3A_232 : memref<!tpu.dma_semaphore, #tpu.memory_space<semaphore_mem>>)
      %dma_wait3A = tpu.memref_slice %arg7[%run_scoped3A_139, %add3A, %mul3A_138] : memref<2x32x20000xf32, #tpu.memory_space<hbm>> -> memref<1x1x128xf32, #tpu.memory_space<hbm>>
      %dma_wait3A_236 = tpu.memref_squeeze %dma_wait3A : memref<1x1x128xf32, #tpu.memory_space<hbm>> -> memref<128xf32, #tpu.memory_space<hbm>>
      %dma_wait3A_237 = tpu.memref_slice %arg7[%run_scoped3A_139, %add3A, %mul3A_138] : memref<2x32x20000xf32, #tpu.memory_space<hbm>> -> memref<1x1x128xf32, #tpu.memory_space<hbm>>
      %dma_wait3A_238 = tpu.memref_squeeze %dma_wait3A_237 : memref<1x1x128xf32, #tpu.memory_space<hbm>> -> memref<128xf32, #tpu.memory_space<hbm>>
      tpu.wait_dma2 semaphore(%run_scoped3A_232 : memref<!tpu.dma_semaphore, #tpu.memory_space<semaphore_mem>>) src(%dma_wait3A_238 : memref<128xf32, #tpu.memory_space<hbm>>) dst(%arg14 : memref<128xf32, #tpu.memory_space<vmem>>)
      tpu.yield
    }) : () -> ()
    %run_scoped3A_140 = arith.constant 1 : i32
    "tpu.region"() ({
      %run_scoped3A_232 = tpu.sem_alloc : memref<!tpu.dma_semaphore, #tpu.memory_space<semaphore_mem>>
      %dma_start3A = tpu.memref_slice %arg7[%run_scoped3A_140, %add3A, %mul3A_138] : memref<2x32x20000xf32, #tpu.memory_space<hbm>> -> memref<1x1x128xf32, #tpu.memory_space<hbm>>
      %dma_start3A_233 = tpu.memref_squeeze %dma_start3A : memref<1x1x128xf32, #tpu.memory_space<hbm>> -> memref<128xf32, #tpu.memory_space<hbm>>
      %dma_start3A_234 = tpu.memref_slice %arg7[%run_scoped3A_140, %add3A, %mul3A_138] : memref<2x32x20000xf32, #tpu.memory_space<hbm>> -> memref<1x1x128xf32, #tpu.memory_space<hbm>>
      %dma_start3A_235 = tpu.memref_squeeze %dma_start3A_234 : memref<1x1x128xf32, #tpu.memory_space<hbm>> -> memref<128xf32, #tpu.memory_space<hbm>>
      tpu.enqueue_dma source(%dma_start3A_235 : memref<128xf32, #tpu.memory_space<hbm>>) target(%arg15 : memref<128xf32, #tpu.memory_space<vmem>>) target_semaphore(%run_scoped3A_232 : memref<!tpu.dma_semaphore, #tpu.memory_space<semaphore_mem>>)
      %dma_wait3A = tpu.memref_slice %arg7[%run_scoped3A_140, %add3A, %mul3A_138] : memref<2x32x20000xf32, #tpu.memory_space<hbm>> -> memref<1x1x128xf32, #tpu.memory_space<hbm>>
      %dma_wait3A_236 = tpu.memref_squeeze %dma_wait3A : memref<1x1x128xf32, #tpu.memory_space<hbm>> -> memref<128xf32, #tpu.memory_space<hbm>>
      %dma_wait3A_237 = tpu.memref_slice %arg7[%run_scoped3A_140, %add3A, %mul3A_138] : memref<2x32x20000xf32, #tpu.memory_space<hbm>> -> memref<1x1x128xf32, #tpu.memory_space<hbm>>
      %dma_wait3A_238 = tpu.memref_squeeze %dma_wait3A_237 : memref<1x1x128xf32, #tpu.memory_space<hbm>> -> memref<128xf32, #tpu.memory_space<hbm>>
      tpu.wait_dma2 semaphore(%run_scoped3A_232 : memref<!tpu.dma_semaphore, #tpu.memory_space<semaphore_mem>>) src(%dma_wait3A_238 : memref<128xf32, #tpu.memory_space<hbm>>) dst(%arg15 : memref<128xf32, #tpu.memory_space<vmem>>)
      tpu.yield
    }) : () -> ()
    %sub3A_141 = arith.subi %reduce_min3A_70, %mul3A_138 : i32
    %jit3A_142 = arith.constant 16 : i32
    %div3A_143 = arith.divsi %sub3A_141, %jit3A_142 : i32
    %sign3A_144 = arith.constant 0 : i32
    %sign3A_145 = arith.cmpi sgt, %sub3A_141, %sign3A_144 : i32
    %sign3A_146 = arith.extui %sign3A_145 : i1 to i32
    %sign3A_147 = arith.constant 0 : i32
    %sign3A_148 = arith.cmpi slt, %sub3A_141, %sign3A_147 : i32
    %sign3A_149 = arith.extui %sign3A_148 : i1 to i32
    %sign3A_150 = arith.subi %sign3A_146, %sign3A_149 : i32
    %sign3A_151 = arith.constant 0 : i32
    %sign3A_152 = arith.cmpi sgt, %jit3A_142, %sign3A_151 : i32
    %sign3A_153 = arith.extui %sign3A_152 : i1 to i32
    %sign3A_154 = arith.constant 0 : i32
    %sign3A_155 = arith.cmpi slt, %jit3A_142, %sign3A_154 : i32
    %sign3A_156 = arith.extui %sign3A_155 : i1 to i32
    %sign3A_157 = arith.subi %sign3A_153, %sign3A_156 : i32
    %ne3A_158 = arith.cmpi ne, %sign3A_150, %sign3A_157 : i32
    %rem3A_159 = arith.remsi %sub3A_141, %jit3A_142 : i32
    %ne3A_160 = arith.constant 0 : i32
    %ne3A_161 = arith.cmpi ne, %rem3A_159, %ne3A_160 : i32
    %and3A_162 = arith.andi %ne3A_158, %ne3A_161 : i1
    %sub3A_163 = arith.constant 1 : i32
    %sub3A_164 = arith.subi %div3A_143, %sub3A_163 : i32
    %select_n3A_165 = arith.select %and3A_162, %sub3A_164, %div3A_143 : i32
    %mul3A_166 = arith.constant 16 : i32
    %mul3A_167 = arith.muli %select_n3A_165, %mul3A_166 : i32
    %sub3A_168 = arith.subi %sub3A_141, %mul3A_167 : i32
    %eq3A_169 = vector.broadcast %sub3A_168 : i32 to vector<16xi32>
    %eq3A_170 = arith.cmpi eq, %iota3A, %eq3A_169 : vector<16xi32>
    %get3A_171 = arith.index_cast %mul3A_167 : i32 to index
    %get3A_172 = tpu.vector_load %arg13[%get3A_171] {strides = array<i32>} : memref<128xf32, #tpu.memory_space<vmem>>, vector<16xf32>,
    %jit3A_173 = arith.constant 0.000000e+00 : f32
    %broadcast_in_dim3A_174 = vector.broadcast %jit3A_173 : f32 to vector<16xf32>
    %select_n3A_175 = arith.select %eq3A_170, %get3A_172, %broadcast_in_dim3A_174 : vector<16xi1>, vector<16xf32>
    %reduce_sum3A_176 = arith.constant true
    %reduce_sum3A_177 = vector.broadcast %reduce_sum3A_176 : i1 to vector<16xi1>
    %reduce_sum3A_178 = tpu.scan <sum>, %select_n3A_175 masked %reduce_sum3A_177 : vector<16xf32>, vector<16xi1> -> vector<16xf32>
    %reduce_sum3A_179 = vector.extract %reduce_sum3A_178[15] : f32 from vector<16xf32>
    %eq3A_180 = vector.broadcast %sub3A_168 : i32 to vector<16xi32>
    %eq3A_181 = arith.cmpi eq, %iota3A, %eq3A_180 : vector<16xi32>
    %get3A_182 = arith.index_cast %mul3A_167 : i32 to index
    %get3A_183 = tpu.vector_load %arg14[%get3A_182] {strides = array<i32>} : memref<128xf32, #tpu.memory_space<vmem>>, vector<16xf32>,
    %jit3A_184 = arith.constant 0.000000e+00 : f32
    %broadcast_in_dim3A_185 = vector.broadcast %jit3A_184 : f32 to vector<16xf32>
    %select_n3A_186 = arith.select %eq3A_181, %get3A_183, %broadcast_in_dim3A_185 : vector<16xi1>, vector<16xf32>
    %reduce_sum3A_187 = arith.constant true
    %reduce_sum3A_188 = vector.broadcast %reduce_sum3A_187 : i1 to vector<16xi1>
    %reduce_sum3A_189 = tpu.scan <sum>, %select_n3A_186 masked %reduce_sum3A_188 : vector<16xf32>, vector<16xi1> -> vector<16xf32>
    %reduce_sum3A_190 = vector.extract %reduce_sum3A_189[15] : f32 from vector<16xf32>
    %sub3A_191 = arith.subf %reduce_sum3A_190, %reduce_sum3A_34 : f32
    %eq3A_192 = vector.broadcast %sub3A_168 : i32 to vector<16xi32>
    %eq3A_193 = arith.cmpi eq, %iota3A, %eq3A_192 : vector<16xi32>
    %get3A_194 = arith.index_cast %mul3A_167 : i32 to index
    %get3A_195 = tpu.vector_load %arg15[%get3A_194] {strides = array<i32>} : memref<128xf32, #tpu.memory_space<vmem>>, vector<16xf32>,
    %jit3A_196 = arith.constant 0.000000e+00 : f32
    %broadcast_in_dim3A_197 = vector.broadcast %jit3A_196 : f32 to vector<16xf32>
    %select_n3A_198 = arith.select %eq3A_193, %get3A_195, %broadcast_in_dim3A_197 : vector<16xi1>, vector<16xf32>
    %reduce_sum3A_199 = arith.constant true
    %reduce_sum3A_200 = vector.broadcast %reduce_sum3A_199 : i1 to vector<16xi1>
    %reduce_sum3A_201 = tpu.scan <sum>, %select_n3A_198 masked %reduce_sum3A_200 : vector<16xf32>, vector<16xi1> -> vector<16xf32>
    %reduce_sum3A_202 = vector.extract %reduce_sum3A_201[15] : f32 from vector<16xf32>
    %sub3A_203 = arith.subf %reduce_sum3A_202, %reduce_sum3A_45 : f32
    %abs3A = math.absf %sub3A_191 : f32
    %lt3A = arith.constant 1.000000e+00 : f32
    %lt3A_204 = arith.cmpf olt, %abs3A, %lt3A : f32
    %mul3A_205 = arith.constant 5.000000e-01 : f32
    %mul3A_206 = arith.mulf %mul3A_205, %sub3A_191 : f32
    %mul3A_207 = arith.mulf %mul3A_206, %sub3A_191 : f32
    %sub3A_208 = arith.constant 5.000000e-01 : f32
    %sub3A_209 = arith.subf %abs3A, %sub3A_208 : f32
    %select_n3A_210 = arith.select %lt3A_204, %mul3A_207, %sub3A_209 : f32
    %abs3A_211 = math.absf %sub3A_203 : f32
    %lt3A_212 = arith.constant 1.000000e+00 : f32
    %lt3A_213 = arith.cmpf olt, %abs3A_211, %lt3A_212 : f32
    %mul3A_214 = arith.constant 5.000000e-01 : f32
    %mul3A_215 = arith.mulf %mul3A_214, %sub3A_203 : f32
    %mul3A_216 = arith.mulf %mul3A_215, %sub3A_203 : f32
    %sub3A_217 = arith.constant 5.000000e-01 : f32
    %sub3A_218 = arith.subf %abs3A_211, %sub3A_217 : f32
    %select_n3A_219 = arith.select %lt3A_213, %mul3A_216, %sub3A_218 : f32
    %add3A_220 = arith.addf %select_n3A_210, %select_n3A_219 : f32
    %sub3A_221 = arith.subf %add3A_220, %reduce_sum3A_179 : f32
    %eq3A_222 = arith.constant 0 : i32
    %eq3A_223 = vector.broadcast %eq3A_222 : i32 to vector<16xi32>
    %eq3A_224 = arith.cmpi eq, %iota3A, %eq3A_223 : vector<16xi32>
    %jit3A_225 = arith.constant 0.000000e+00 : f32
    %broadcast_in_dim3A_226 = vector.broadcast %sub3A_221 : f32 to vector<16xf32>
    %broadcast_in_dim3A_227 = vector.broadcast %jit3A_225 : f32 to vector<16xf32>
    %select_n3A_228 = arith.select %eq3A_224, %broadcast_in_dim3A_226, %broadcast_in_dim3A_227 : vector<16xi1>, vector<16xf32>
    %swap3A = arith.constant 0 : index
    %swap3A_229 = tpu.vector_load %arg16[%swap3A] {strides = array<i32>} : memref<16xf32, #tpu.memory_space<vmem>>, vector<16xf32>,
    tpu.vector_store %arg16[%swap3A], %select_n3A_228 {strides = array<i32>} : memref<16xf32, #tpu.memory_space<vmem>>, vector<16xf32>,
    %mul3A_230 = arith.constant 16 : i32
    %mul3A_231 = arith.muli %add3A, %mul3A_230 : i32
    "tpu.region"() ({
      %run_scoped3A_232 = tpu.sem_alloc : memref<!tpu.dma_semaphore, #tpu.memory_space<semaphore_mem>>
      %dma_start3A = tpu.memref_slice %arg8[%mul3A_231] : memref<512xf32, #tpu.memory_space<hbm>> -> memref<16xf32, #tpu.memory_space<hbm>>
      %dma_start3A_233 = tpu.memref_slice %arg8[%mul3A_231] : memref<512xf32, #tpu.memory_space<hbm>> -> memref<16xf32, #tpu.memory_space<hbm>>
      tpu.enqueue_dma source(%arg16 : memref<16xf32, #tpu.memory_space<vmem>>) target(%dma_start3A_233 : memref<16xf32, #tpu.memory_space<hbm>>) target_semaphore(%run_scoped3A_232 : memref<!tpu.dma_semaphore, #tpu.memory_space<semaphore_mem>>)
      %dma_wait3A = tpu.memref_slice %arg8[%mul3A_231] : memref<512xf32, #tpu.memory_space<hbm>> -> memref<16xf32, #tpu.memory_space<hbm>>
      %dma_wait3A_234 = tpu.memref_slice %arg8[%mul3A_231] : memref<512xf32, #tpu.memory_space<hbm>> -> memref<16xf32, #tpu.memory_space<hbm>>
      tpu.wait_dma2 semaphore(%run_scoped3A_232 : memref<!tpu.dma_semaphore, #tpu.memory_space<semaphore_mem>>) src(%arg16 : memref<16xf32, #tpu.memory_space<vmem>>) dst(%dma_wait3A_234 : memref<16xf32, #tpu.memory_space<hbm>>)
      tpu.yield
    }) : () -> ()
    return
  }
}

module attributes {stable_mosaic.version = 14 : i64} {
  func.func @_tc_softplus_sum(%arg0: i32, %arg1: memref<1x8x20000xf32, #tpu.memory_space<vmem>>, %arg2: memref<1x8x20000xf32, #tpu.memory_space<vmem>>, %arg3: memref<1x8x20000xf32, #tpu.memory_space<vmem>>, %arg4: memref<1x8x20000xf32, #tpu.memory_space<vmem>>, %arg5: memref<1x8x20000xf32, #tpu.memory_space<vmem>>, %arg6: memref<1x8x20000xf32, #tpu.memory_space<vmem>>, %arg7: memref<1x8x20000xf32, #tpu.memory_space<vmem>>, %arg8: memref<1x8x20000xf32, #tpu.memory_space<vmem>>, %arg9: memref<1x1xf32, #tpu.memory_space<smem>>) attributes {dimension_semantics = [#tpu.dimension_semantics<arbitrary>], iteration_bounds = array<i64: 8>, scalar_prefetch = 0 : i64, scratch_operands = 0 : i64, tpu.core_type = #tpu.core_type<tc>, window_params = [{transform_indices = @transform_0, window_bounds = array<i64: 1, 8, 20000>}, {transform_indices = @transform_1, window_bounds = array<i64: 1, 8, 20000>}, {transform_indices = @transform_2, window_bounds = array<i64: 1, 8, 20000>}, {transform_indices = @transform_3, window_bounds = array<i64: 1, 8, 20000>}, {transform_indices = @transform_4, window_bounds = array<i64: 1, 8, 20000>}, {transform_indices = @transform_5, window_bounds = array<i64: 1, 8, 20000>}, {transform_indices = @transform_6, window_bounds = array<i64: 1, 8, 20000>}, {transform_indices = @transform_7, window_bounds = array<i64: 1, 8, 20000>}, {transform_indices = @transform_8, window_bounds = array<i64: 1, 1>}]} {
    %eq3A = arith.constant 0 : i32
    %eq3A_0 = arith.cmpi eq, %arg0, %eq3A : i32
    %convert_element_type3A = arith.extui %eq3A_0 : i1 to i32
    %cond3A = arith.constant 0 : i32
    %cond3A_1 = arith.cmpi ne, %convert_element_type3A, %cond3A : i32
    scf.if %cond3A_1 {
      %swap3A_185 = arith.constant 0.000000e+00 : f32
      %swap3A_186 = arith.constant 0 : index
      %swap3A_187 = arith.constant 0 : index
      %swap3A_188 = memref.load %arg9[%swap3A_186, %swap3A_187] : memref<1x1xf32, #tpu.memory_space<smem>>
      memref.store %swap3A_185, %arg9[%swap3A_186, %swap3A_187] : memref<1x1xf32, #tpu.memory_space<smem>>
    } else {
    }
    %get3A = arith.constant 0 : index
    %get3A_2 = arith.constant 0 : index
    %get3A_3 = arith.constant 0 : index
    %get3A_4 = vector.load %arg1[%get3A, %get3A_2, %get3A_3] : memref<1x8x20000xf32, #tpu.memory_space<vmem>>, vector<1x8x20000xf32>
    %abs3A = math.absf %get3A_4 : vector<1x8x20000xf32>
    %neg3A = arith.constant 0.000000e+00 : f32
    %neg3A_5 = vector.broadcast %neg3A : f32 to vector<1x8x20000xf32>
    %neg3A_6 = arith.subf %neg3A_5, %abs3A : vector<1x8x20000xf32>
    %exp3A = math.exp %neg3A_6 : vector<1x8x20000xf32>
    %max3A = arith.constant 0.000000e+00 : f32
    %max3A_7 = vector.broadcast %max3A : f32 to vector<1x8x20000xf32>
    %max3A_8 = arith.maximumf %get3A_4, %max3A_7 : vector<1x8x20000xf32>
    %add3A = arith.constant 1.000000e+00 : f32
    %add3A_9 = vector.broadcast %add3A : f32 to vector<1x8x20000xf32>
    %add3A_10 = arith.addf %add3A_9, %exp3A : vector<1x8x20000xf32>
    %log3A = math.log %add3A_10 : vector<1x8x20000xf32>
    %add3A_11 = arith.addf %max3A_8, %log3A : vector<1x8x20000xf32>
    %reduce_sum3A = vector.shape_cast %add3A_11 : vector<1x8x20000xf32> to vector<1x1x8x20000xf32>
    %reduce_sum3A_12 = arith.constant dense<0.000000e+00> : vector<1xf32>
    %reduce_sum3A_13 = vector.multi_reduction <add>, %reduce_sum3A, %reduce_sum3A_12 [1, 2, 3] : vector<1x1x8x20000xf32> to vector<1xf32>
    %reduce_sum3A_14 = vector.shape_cast %reduce_sum3A_13 : vector<1xf32> to vector<1x1x1x1xf32>
    %reduce_sum3A_15 = vector.extract %reduce_sum3A_14[0, 0, 0, 0] : f32 from vector<1x1x1x1xf32>
    %add3A_16 = arith.constant 0.000000e+00 : f32
    %add3A_17 = arith.addf %add3A_16, %reduce_sum3A_15 : f32
    %get3A_18 = arith.constant 0 : index
    %get3A_19 = arith.constant 0 : index
    %get3A_20 = arith.constant 0 : index
    %get3A_21 = vector.load %arg2[%get3A_18, %get3A_19, %get3A_20] : memref<1x8x20000xf32, #tpu.memory_space<vmem>>, vector<1x8x20000xf32>
    %abs3A_22 = math.absf %get3A_21 : vector<1x8x20000xf32>
    %neg3A_23 = arith.constant 0.000000e+00 : f32
    %neg3A_24 = vector.broadcast %neg3A_23 : f32 to vector<1x8x20000xf32>
    %neg3A_25 = arith.subf %neg3A_24, %abs3A_22 : vector<1x8x20000xf32>
    %exp3A_26 = math.exp %neg3A_25 : vector<1x8x20000xf32>
    %max3A_27 = arith.constant 0.000000e+00 : f32
    %max3A_28 = vector.broadcast %max3A_27 : f32 to vector<1x8x20000xf32>
    %max3A_29 = arith.maximumf %get3A_21, %max3A_28 : vector<1x8x20000xf32>
    %add3A_30 = arith.constant 1.000000e+00 : f32
    %add3A_31 = vector.broadcast %add3A_30 : f32 to vector<1x8x20000xf32>
    %add3A_32 = arith.addf %add3A_31, %exp3A_26 : vector<1x8x20000xf32>
    %log3A_33 = math.log %add3A_32 : vector<1x8x20000xf32>
    %add3A_34 = arith.addf %max3A_29, %log3A_33 : vector<1x8x20000xf32>
    %reduce_sum3A_35 = vector.shape_cast %add3A_34 : vector<1x8x20000xf32> to vector<1x1x8x20000xf32>
    %reduce_sum3A_36 = arith.constant dense<0.000000e+00> : vector<1xf32>
    %reduce_sum3A_37 = vector.multi_reduction <add>, %reduce_sum3A_35, %reduce_sum3A_36 [1, 2, 3] : vector<1x1x8x20000xf32> to vector<1xf32>
    %reduce_sum3A_38 = vector.shape_cast %reduce_sum3A_37 : vector<1xf32> to vector<1x1x1x1xf32>
    %reduce_sum3A_39 = vector.extract %reduce_sum3A_38[0, 0, 0, 0] : f32 from vector<1x1x1x1xf32>
    %add3A_40 = arith.addf %add3A_17, %reduce_sum3A_39 : f32
    %get3A_41 = arith.constant 0 : index
    %get3A_42 = arith.constant 0 : index
    %get3A_43 = arith.constant 0 : index
    %get3A_44 = vector.load %arg3[%get3A_41, %get3A_42, %get3A_43] : memref<1x8x20000xf32, #tpu.memory_space<vmem>>, vector<1x8x20000xf32>
    %abs3A_45 = math.absf %get3A_44 : vector<1x8x20000xf32>
    %neg3A_46 = arith.constant 0.000000e+00 : f32
    %neg3A_47 = vector.broadcast %neg3A_46 : f32 to vector<1x8x20000xf32>
    %neg3A_48 = arith.subf %neg3A_47, %abs3A_45 : vector<1x8x20000xf32>
    %exp3A_49 = math.exp %neg3A_48 : vector<1x8x20000xf32>
    %max3A_50 = arith.constant 0.000000e+00 : f32
    %max3A_51 = vector.broadcast %max3A_50 : f32 to vector<1x8x20000xf32>
    %max3A_52 = arith.maximumf %get3A_44, %max3A_51 : vector<1x8x20000xf32>
    %add3A_53 = arith.constant 1.000000e+00 : f32
    %add3A_54 = vector.broadcast %add3A_53 : f32 to vector<1x8x20000xf32>
    %add3A_55 = arith.addf %add3A_54, %exp3A_49 : vector<1x8x20000xf32>
    %log3A_56 = math.log %add3A_55 : vector<1x8x20000xf32>
    %add3A_57 = arith.addf %max3A_52, %log3A_56 : vector<1x8x20000xf32>
    %reduce_sum3A_58 = vector.shape_cast %add3A_57 : vector<1x8x20000xf32> to vector<1x1x8x20000xf32>
    %reduce_sum3A_59 = arith.constant dense<0.000000e+00> : vector<1xf32>
    %reduce_sum3A_60 = vector.multi_reduction <add>, %reduce_sum3A_58, %reduce_sum3A_59 [1, 2, 3] : vector<1x1x8x20000xf32> to vector<1xf32>
    %reduce_sum3A_61 = vector.shape_cast %reduce_sum3A_60 : vector<1xf32> to vector<1x1x1x1xf32>
    %reduce_sum3A_62 = vector.extract %reduce_sum3A_61[0, 0, 0, 0] : f32 from vector<1x1x1x1xf32>
    %add3A_63 = arith.addf %add3A_40, %reduce_sum3A_62 : f32
    %get3A_64 = arith.constant 0 : index
    %get3A_65 = arith.constant 0 : index
    %get3A_66 = arith.constant 0 : index
    %get3A_67 = vector.load %arg4[%get3A_64, %get3A_65, %get3A_66] : memref<1x8x20000xf32, #tpu.memory_space<vmem>>, vector<1x8x20000xf32>
    %abs3A_68 = math.absf %get3A_67 : vector<1x8x20000xf32>
    %neg3A_69 = arith.constant 0.000000e+00 : f32
    %neg3A_70 = vector.broadcast %neg3A_69 : f32 to vector<1x8x20000xf32>
    %neg3A_71 = arith.subf %neg3A_70, %abs3A_68 : vector<1x8x20000xf32>
    %exp3A_72 = math.exp %neg3A_71 : vector<1x8x20000xf32>
    %max3A_73 = arith.constant 0.000000e+00 : f32
    %max3A_74 = vector.broadcast %max3A_73 : f32 to vector<1x8x20000xf32>
    %max3A_75 = arith.maximumf %get3A_67, %max3A_74 : vector<1x8x20000xf32>
    %add3A_76 = arith.constant 1.000000e+00 : f32
    %add3A_77 = vector.broadcast %add3A_76 : f32 to vector<1x8x20000xf32>
    %add3A_78 = arith.addf %add3A_77, %exp3A_72 : vector<1x8x20000xf32>
    %log3A_79 = math.log %add3A_78 : vector<1x8x20000xf32>
    %add3A_80 = arith.addf %max3A_75, %log3A_79 : vector<1x8x20000xf32>
    %reduce_sum3A_81 = vector.shape_cast %add3A_80 : vector<1x8x20000xf32> to vector<1x1x8x20000xf32>
    %reduce_sum3A_82 = arith.constant dense<0.000000e+00> : vector<1xf32>
    %reduce_sum3A_83 = vector.multi_reduction <add>, %reduce_sum3A_81, %reduce_sum3A_82 [1, 2, 3] : vector<1x1x8x20000xf32> to vector<1xf32>
    %reduce_sum3A_84 = vector.shape_cast %reduce_sum3A_83 : vector<1xf32> to vector<1x1x1x1xf32>
    %reduce_sum3A_85 = vector.extract %reduce_sum3A_84[0, 0, 0, 0] : f32 from vector<1x1x1x1xf32>
    %add3A_86 = arith.addf %add3A_63, %reduce_sum3A_85 : f32
    %get3A_87 = arith.constant 0 : index
    %get3A_88 = arith.constant 0 : index
    %get3A_89 = arith.constant 0 : index
    %get3A_90 = vector.load %arg5[%get3A_87, %get3A_88, %get3A_89] : memref<1x8x20000xf32, #tpu.memory_space<vmem>>, vector<1x8x20000xf32>
    %abs3A_91 = math.absf %get3A_90 : vector<1x8x20000xf32>
    %neg3A_92 = arith.constant 0.000000e+00 : f32
    %neg3A_93 = vector.broadcast %neg3A_92 : f32 to vector<1x8x20000xf32>
    %neg3A_94 = arith.subf %neg3A_93, %abs3A_91 : vector<1x8x20000xf32>
    %exp3A_95 = math.exp %neg3A_94 : vector<1x8x20000xf32>
    %max3A_96 = arith.constant 0.000000e+00 : f32
    %max3A_97 = vector.broadcast %max3A_96 : f32 to vector<1x8x20000xf32>
    %max3A_98 = arith.maximumf %get3A_90, %max3A_97 : vector<1x8x20000xf32>
    %add3A_99 = arith.constant 1.000000e+00 : f32
    %add3A_100 = vector.broadcast %add3A_99 : f32 to vector<1x8x20000xf32>
    %add3A_101 = arith.addf %add3A_100, %exp3A_95 : vector<1x8x20000xf32>
    %log3A_102 = math.log %add3A_101 : vector<1x8x20000xf32>
    %add3A_103 = arith.addf %max3A_98, %log3A_102 : vector<1x8x20000xf32>
    %reduce_sum3A_104 = vector.shape_cast %add3A_103 : vector<1x8x20000xf32> to vector<1x1x8x20000xf32>
    %reduce_sum3A_105 = arith.constant dense<0.000000e+00> : vector<1xf32>
    %reduce_sum3A_106 = vector.multi_reduction <add>, %reduce_sum3A_104, %reduce_sum3A_105 [1, 2, 3] : vector<1x1x8x20000xf32> to vector<1xf32>
    %reduce_sum3A_107 = vector.shape_cast %reduce_sum3A_106 : vector<1xf32> to vector<1x1x1x1xf32>
    %reduce_sum3A_108 = vector.extract %reduce_sum3A_107[0, 0, 0, 0] : f32 from vector<1x1x1x1xf32>
    %add3A_109 = arith.addf %add3A_86, %reduce_sum3A_108 : f32
    %get3A_110 = arith.constant 0 : index
    %get3A_111 = arith.constant 0 : index
    %get3A_112 = arith.constant 0 : index
    %get3A_113 = vector.load %arg6[%get3A_110, %get3A_111, %get3A_112] : memref<1x8x20000xf32, #tpu.memory_space<vmem>>, vector<1x8x20000xf32>
    %abs3A_114 = math.absf %get3A_113 : vector<1x8x20000xf32>
    %neg3A_115 = arith.constant 0.000000e+00 : f32
    %neg3A_116 = vector.broadcast %neg3A_115 : f32 to vector<1x8x20000xf32>
    %neg3A_117 = arith.subf %neg3A_116, %abs3A_114 : vector<1x8x20000xf32>
    %exp3A_118 = math.exp %neg3A_117 : vector<1x8x20000xf32>
    %max3A_119 = arith.constant 0.000000e+00 : f32
    %max3A_120 = vector.broadcast %max3A_119 : f32 to vector<1x8x20000xf32>
    %max3A_121 = arith.maximumf %get3A_113, %max3A_120 : vector<1x8x20000xf32>
    %add3A_122 = arith.constant 1.000000e+00 : f32
    %add3A_123 = vector.broadcast %add3A_122 : f32 to vector<1x8x20000xf32>
    %add3A_124 = arith.addf %add3A_123, %exp3A_118 : vector<1x8x20000xf32>
    %log3A_125 = math.log %add3A_124 : vector<1x8x20000xf32>
    %add3A_126 = arith.addf %max3A_121, %log3A_125 : vector<1x8x20000xf32>
    %reduce_sum3A_127 = vector.shape_cast %add3A_126 : vector<1x8x20000xf32> to vector<1x1x8x20000xf32>
    %reduce_sum3A_128 = arith.constant dense<0.000000e+00> : vector<1xf32>
    %reduce_sum3A_129 = vector.multi_reduction <add>, %reduce_sum3A_127, %reduce_sum3A_128 [1, 2, 3] : vector<1x1x8x20000xf32> to vector<1xf32>
    %reduce_sum3A_130 = vector.shape_cast %reduce_sum3A_129 : vector<1xf32> to vector<1x1x1x1xf32>
    %reduce_sum3A_131 = vector.extract %reduce_sum3A_130[0, 0, 0, 0] : f32 from vector<1x1x1x1xf32>
    %add3A_132 = arith.addf %add3A_109, %reduce_sum3A_131 : f32
    %get3A_133 = arith.constant 0 : index
    %get3A_134 = arith.constant 0 : index
    %get3A_135 = arith.constant 0 : index
    %get3A_136 = vector.load %arg7[%get3A_133, %get3A_134, %get3A_135] : memref<1x8x20000xf32, #tpu.memory_space<vmem>>, vector<1x8x20000xf32>
    %abs3A_137 = math.absf %get3A_136 : vector<1x8x20000xf32>
    %neg3A_138 = arith.constant 0.000000e+00 : f32
    %neg3A_139 = vector.broadcast %neg3A_138 : f32 to vector<1x8x20000xf32>
    %neg3A_140 = arith.subf %neg3A_139, %abs3A_137 : vector<1x8x20000xf32>
    %exp3A_141 = math.exp %neg3A_140 : vector<1x8x20000xf32>
    %max3A_142 = arith.constant 0.000000e+00 : f32
    %max3A_143 = vector.broadcast %max3A_142 : f32 to vector<1x8x20000xf32>
    %max3A_144 = arith.maximumf %get3A_136, %max3A_143 : vector<1x8x20000xf32>
    %add3A_145 = arith.constant 1.000000e+00 : f32
    %add3A_146 = vector.broadcast %add3A_145 : f32 to vector<1x8x20000xf32>
    %add3A_147 = arith.addf %add3A_146, %exp3A_141 : vector<1x8x20000xf32>
    %log3A_148 = math.log %add3A_147 : vector<1x8x20000xf32>
    %add3A_149 = arith.addf %max3A_144, %log3A_148 : vector<1x8x20000xf32>
    %reduce_sum3A_150 = vector.shape_cast %add3A_149 : vector<1x8x20000xf32> to vector<1x1x8x20000xf32>
    %reduce_sum3A_151 = arith.constant dense<0.000000e+00> : vector<1xf32>
    %reduce_sum3A_152 = vector.multi_reduction <add>, %reduce_sum3A_150, %reduce_sum3A_151 [1, 2, 3] : vector<1x1x8x20000xf32> to vector<1xf32>
    %reduce_sum3A_153 = vector.shape_cast %reduce_sum3A_152 : vector<1xf32> to vector<1x1x1x1xf32>
    %reduce_sum3A_154 = vector.extract %reduce_sum3A_153[0, 0, 0, 0] : f32 from vector<1x1x1x1xf32>
    %add3A_155 = arith.addf %add3A_132, %reduce_sum3A_154 : f32
    %get3A_156 = arith.constant 0 : index
    %get3A_157 = arith.constant 0 : index
    %get3A_158 = arith.constant 0 : index
    %get3A_159 = vector.load %arg8[%get3A_156, %get3A_157, %get3A_158] : memref<1x8x20000xf32, #tpu.memory_space<vmem>>, vector<1x8x20000xf32>
    %abs3A_160 = math.absf %get3A_159 : vector<1x8x20000xf32>
    %neg3A_161 = arith.constant 0.000000e+00 : f32
    %neg3A_162 = vector.broadcast %neg3A_161 : f32 to vector<1x8x20000xf32>
    %neg3A_163 = arith.subf %neg3A_162, %abs3A_160 : vector<1x8x20000xf32>
    %exp3A_164 = math.exp %neg3A_163 : vector<1x8x20000xf32>
    %max3A_165 = arith.constant 0.000000e+00 : f32
    %max3A_166 = vector.broadcast %max3A_165 : f32 to vector<1x8x20000xf32>
    %max3A_167 = arith.maximumf %get3A_159, %max3A_166 : vector<1x8x20000xf32>
    %add3A_168 = arith.constant 1.000000e+00 : f32
    %add3A_169 = vector.broadcast %add3A_168 : f32 to vector<1x8x20000xf32>
    %add3A_170 = arith.addf %add3A_169, %exp3A_164 : vector<1x8x20000xf32>
    %log3A_171 = math.log %add3A_170 : vector<1x8x20000xf32>
    %add3A_172 = arith.addf %max3A_167, %log3A_171 : vector<1x8x20000xf32>
    %reduce_sum3A_173 = vector.shape_cast %add3A_172 : vector<1x8x20000xf32> to vector<1x1x8x20000xf32>
    %reduce_sum3A_174 = arith.constant dense<0.000000e+00> : vector<1xf32>
    %reduce_sum3A_175 = vector.multi_reduction <add>, %reduce_sum3A_173, %reduce_sum3A_174 [1, 2, 3] : vector<1x1x8x20000xf32> to vector<1xf32>
    %reduce_sum3A_176 = vector.shape_cast %reduce_sum3A_175 : vector<1xf32> to vector<1x1x1x1xf32>
    %reduce_sum3A_177 = vector.extract %reduce_sum3A_176[0, 0, 0, 0] : f32 from vector<1x1x1x1xf32>
    %add3A_178 = arith.addf %add3A_155, %reduce_sum3A_177 : f32
    %get3A_179 = arith.constant 0 : index
    %get3A_180 = arith.constant 0 : index
    %get3A_181 = memref.load %arg9[%get3A_179, %get3A_180] : memref<1x1xf32, #tpu.memory_space<smem>>
    %add3A_182 = arith.addf %get3A_181, %add3A_178 : f32
    %swap3A = arith.constant 0 : index
    %swap3A_183 = arith.constant 0 : index
    %swap3A_184 = memref.load %arg9[%swap3A, %swap3A_183] : memref<1x1xf32, #tpu.memory_space<smem>>
    memref.store %add3A_182, %arg9[%swap3A, %swap3A_183] : memref<1x1xf32, #tpu.memory_space<smem>>
    return
  }
  func.func @transform_0(%arg0: i32) -> (i32, i32, i32) {
    %mul3A = arith.constant 4 : i32
    %mul3A_0 = arith.muli %mul3A, %arg0 : i32
    %add3A = arith.constant 0 : i32
    %add3A_1 = arith.addi %mul3A_0, %add3A : i32
    %c0_i32 = arith.constant 0 : i32
    %c0_i32_2 = arith.constant 0 : i32
    %c0_i32_3 = arith.constant 0 : i32
    return %add3A_1, %c0_i32, %c0_i32_2 : i32, i32, i32
  }
  func.func @transform_1(%arg0: i32) -> (i32, i32, i32) {
    %mul3A = arith.constant 4 : i32
    %mul3A_0 = arith.muli %mul3A, %arg0 : i32
    %add3A = arith.constant 0 : i32
    %add3A_1 = arith.addi %mul3A_0, %add3A : i32
    %c1_i32 = arith.constant 1 : i32
    %c0_i32 = arith.constant 0 : i32
    %c0_i32_2 = arith.constant 0 : i32
    return %add3A_1, %c1_i32, %c0_i32 : i32, i32, i32
  }
  func.func @transform_2(%arg0: i32) -> (i32, i32, i32) {
    %mul3A = arith.constant 4 : i32
    %mul3A_0 = arith.muli %mul3A, %arg0 : i32
    %add3A = arith.constant 1 : i32
    %add3A_1 = arith.addi %mul3A_0, %add3A : i32
    %c0_i32 = arith.constant 0 : i32
    %c0_i32_2 = arith.constant 0 : i32
    %c0_i32_3 = arith.constant 0 : i32
    return %add3A_1, %c0_i32, %c0_i32_2 : i32, i32, i32
  }
  func.func @transform_3(%arg0: i32) -> (i32, i32, i32) {
    %mul3A = arith.constant 4 : i32
    %mul3A_0 = arith.muli %mul3A, %arg0 : i32
    %add3A = arith.constant 1 : i32
    %add3A_1 = arith.addi %mul3A_0, %add3A : i32
    %c1_i32 = arith.constant 1 : i32
    %c0_i32 = arith.constant 0 : i32
    %c0_i32_2 = arith.constant 0 : i32
    return %add3A_1, %c1_i32, %c0_i32 : i32, i32, i32
  }
  func.func @transform_4(%arg0: i32) -> (i32, i32, i32) {
    %mul3A = arith.constant 4 : i32
    %mul3A_0 = arith.muli %mul3A, %arg0 : i32
    %add3A = arith.constant 2 : i32
    %add3A_1 = arith.addi %mul3A_0, %add3A : i32
    %c0_i32 = arith.constant 0 : i32
    %c0_i32_2 = arith.constant 0 : i32
    %c0_i32_3 = arith.constant 0 : i32
    return %add3A_1, %c0_i32, %c0_i32_2 : i32, i32, i32
  }
  func.func @transform_5(%arg0: i32) -> (i32, i32, i32) {
    %mul3A = arith.constant 4 : i32
    %mul3A_0 = arith.muli %mul3A, %arg0 : i32
    %add3A = arith.constant 2 : i32
    %add3A_1 = arith.addi %mul3A_0, %add3A : i32
    %c1_i32 = arith.constant 1 : i32
    %c0_i32 = arith.constant 0 : i32
    %c0_i32_2 = arith.constant 0 : i32
    return %add3A_1, %c1_i32, %c0_i32 : i32, i32, i32
  }
  func.func @transform_6(%arg0: i32) -> (i32, i32, i32) {
    %mul3A = arith.constant 4 : i32
    %mul3A_0 = arith.muli %mul3A, %arg0 : i32
    %add3A = arith.constant 3 : i32
    %add3A_1 = arith.addi %mul3A_0, %add3A : i32
    %c0_i32 = arith.constant 0 : i32
    %c0_i32_2 = arith.constant 0 : i32
    %c0_i32_3 = arith.constant 0 : i32
    return %add3A_1, %c0_i32, %c0_i32_2 : i32, i32, i32
  }
  func.func @transform_7(%arg0: i32) -> (i32, i32, i32) {
    %mul3A = arith.constant 4 : i32
    %mul3A_0 = arith.muli %mul3A, %arg0 : i32
    %add3A = arith.constant 3 : i32
    %add3A_1 = arith.addi %mul3A_0, %add3A : i32
    %c1_i32 = arith.constant 1 : i32
    %c0_i32 = arith.constant 0 : i32
    %c0_i32_2 = arith.constant 0 : i32
    return %add3A_1, %c1_i32, %c0_i32 : i32, i32, i32
  }
  func.func @transform_8(%arg0: i32) -> (i32, i32) {
    %c0_i32 = arith.constant 0 : i32
    %c0_i32_0 = arith.constant 0 : i32
    %c0_i32_1 = arith.constant 0 : i32
    return %c0_i32, %c0_i32_0 : i32, i32
  }
}

</mosaic_0001>

<sc_bundles>
// kernel: kernel.4.cloned.1.call-start
scs
__scs_entry_jumppad:
0x0: {  	(pc) =	sbr.rel $0x88, $3  }
0x1: {  	(tag) =	ssettag $0x0;
	lr =	simm.s32 $0x1  }
0x2: {  	[smem:$0x3F9C] =	sst lr;
	_ =	strace $0xD0000000  }
0x3: {  	_ = 	snop  }
0x4: {  	_ = 	snop  }
0x5: {  	_ = 	snop  }
0x6: {  	_ = 	snop  }
0x7: {  	_ = 	snop  }
__scs_overlays_trampoline_lowered:
0x8: {  	[smem:$0x3FAB] =	sst s0  }
0x9: {  	[smem:$0x3FAC] =	sst s1  }
0xa: {  	[smem:$0x3FAD] =	sst s2  }
0xb: {  	[smem:$0x3FAE] =	sst s3  }
0xc: {  	[smem:$0x3FAF] =	sst s4  }
0xd: {  	[smem:$0x3FB0] =	sst s5  }
0xe: {  	[smem:$0x3FB1] =	sst s6  }
0xf: {  	[smem:$0x3FB2] =	sst s7  }
0x10: {  	[smem:$0x3FB3] =	sst s8  }
0x11: {  	[smem:$0x3FB4] =	sst s9;
	s0 =	simm.s32 @!p0 $0x0  }
0x12: {  	s1 =	sld [smem:$0x3F9A];
	s0 =	simm.s32 @p0 $0x1  }
0x13: {  	[smem:$0x3FB5] =	sst s0;
	s0 =	simm.s32 @!p1 $0x0  }
0x14: {  	s2 =	sld [smem:$0x3F99];
	s0 =	simm.s32 @p1 $0x1  }
0x15: {  	[smem:$0x3FB6] =	sst s0;
	s0 =	simm.s32 @!p2 $0x0  }
0x16: {  	s3 =	sld [smem:$0x3FDB];
	s0 =	simm.s32 @p2 $0x1  }
0x17: {  	s4 =	simm.s32 $0x1BF5;
	[smem:$0x3FB8] =	sst s0  }
0x18: {  	s0 =	sld [smem:$0x3F9B];
	_ =	swait.ge [sflag:s4], $0x0  }
0x19: {  	s7 =	sld [smem:$0x3F9C]  }
0x1a: {  	s8 =	sadd.s32 $0xFFFFE003, lr  }
0x1b: {  	s9 =	sadd.s32 $0xFFFFFEF7, lr;
	s5 =	simm.s32 $0xFFFFFFFF;
	p2 =	slt.u32 s8, $0xFFFFF086  }
0x1c: {  	p1 =	slt.u32 s9, $0xF7A;
	s5 =	simm.s32 @!p2 $0x0  }
0x1d: {  	s5 =	simm.s32 @p1 $0x1;
	p0 =	seq.s32 s7, s2  }
0x1e: {  	s7 =	smul.u32 @!p0 $0xF7A, s2;
	p2 =	seq.s32 @!p0 s5, $0x0  }
0x1f: {  	s9 =	smul.u32 $0xF7A, s1;
	s8 =	simm.s32 @!p0 $0x1BF5;
	p2 =	por !p2, p0  }
0x20: {  	[sflag:s8] =	ssyncset.s32 @!p0 $0xFFFFF086;
	s6 =	sadd.s32 @!p0 s3, s7;
	s7 =	simm.s32 @!p0 $0x108  }
0x21: {  	s3 =	sadd.s32 s3, s9;
	s6 =	sadd.s32 @!p0 $0x88, s6;
	s7 =	simm.s32 @p2 $0x1082  }
0x22: {  	[simem:s7], [sflag:s8] =	dma.local @!p0 [hbm:s6], $0xF7A  }
0x23: {  	s9 =	sor.u32 $0xD0000000, s2;
	s6 =	simm.s32 $0x108;
	_ =	swait.ge @!p0 [sflag:s8], $0x0  }
0x24: {  	s3 =	sadd.s32 $0x88, s3;
	s6 =	simm.s32 @!p1 $0x1082;
	[sflag:s4] =	ssyncset.s32 $0xFFFFF086  }
0x25: {  	[simem:s6], [sflag:s4] =	dma.local [hbm:s3], $0xF7A  }
0x26: {  	[smem:$0x3F9C] =	sst s1;
	(tag) =	ssettag s2;
	_ =	strace s9  }
0x27: {  	s1 =	sld [smem:$0x3FAC]  }
0x28: {  	s2 =	sld [smem:$0x3FAD]  }
0x29: {  	s4 =	sld [smem:$0x3FAF]  }
0x2a: {  	p0 =	seq.s32 s5, $0x0;
	s5 =	sld [smem:$0x3FB0]  }
0x2b: {  	s6 =	sld [smem:$0x3FB1]  }
0x2c: {  	s7 =	sld [smem:$0x3FB2]  }
0x2d: {  	s3 =	simm.s32 $0x108;
	s8 =	sld [smem:$0x3FB3]  }
0x2e: {  	s3 =	simm.s32 @!p0 $0x1082;
	s9 =	sld [smem:$0x3FB4]  }
0x2f: {  	lr =	sadd.s32 s0, s3;
	s0 =	sld [smem:$0x3FAB]  }
0x30: {  	s3 =	sld [smem:$0x3FAE]  }
0x31: {  	[smem:$0x3FB7] =	sst s10  }
0x32: {  	s10 =	sld [smem:$0x3FB5];
	_ =	sdelay $0x3  }
0x33: {  	p0 =	seq.s32 s10, $0x1;
	s10 =	sld [smem:$0x3FB7];
	_ =	sdelay $0x3  }
0x34: {  	[smem:$0x3FB7] =	sst s10  }
0x35: {  	s10 =	sld [smem:$0x3FB6];
	_ =	sdelay $0x3  }
0x36: {  	p1 =	seq.s32 s10, $0x1;
	s10 =	sld [smem:$0x3FB7];
	_ =	sdelay $0x3  }
0x37: {  	[smem:$0x3FB7] =	sst s10  }
0x38: {  	s10 =	sld [smem:$0x3FB8]  }
0x39: {  	_ = 	snop;
	(pc) =	sbr.ind lr, $3  }
0x3a: {  	_ = 	snop  }
0x3b: {  	_ = 	snop  }
0x3c: {  	p2 =	seq.s32 s10, $0x1;
	s10 =	sld [smem:$0x3FB7]  }
0x3d: {  	_ =	shalt  }
0x3e: {  	_ =	shalt  }
0x3f: {  	_ =	shalt  }
0x40: {  	_ =	shalt  }
0x41: {  	_ =	shalt  }
0x42: {  	_ =	shalt  }
0x43: {  	_ =	shalt  }
0x44: {  	_ =	shalt  }
0x45: {  	_ =	shalt  }
0x46: {  	_ =	shalt  }
0x47: {  	_ =	shalt  }
0x48: {  	_ =	shalt  }
0x49: {  	_ =	shalt  }
0x4a: {  	_ =	shalt  }
0x4b: {  	_ =	shalt  }
0x4c: {  	_ =	shalt  }
0x4d: {  	_ =	shalt  }
0x4e: {  	_ =	shalt  }
0x4f: {  	_ =	shalt  }
0x50: {  	_ =	shalt  }
0x51: {  	_ =	shalt  }
0x52: {  	_ =	shalt  }
0x53: {  	_ =	shalt  }
0x54: {  	_ =	shalt  }
0x55: {  	_ =	shalt  }
0x56: {  	_ =	shalt  }
0x57: {  	_ =	shalt  }
0x58: {  	_ =	shalt  }
0x59: {  	_ =	shalt  }
0x5a: {  	_ =	shalt  }
0x5b: {  	_ =	shalt  }
0x5c: {  	_ =	shalt  }
0x5d: {  	_ =	shalt  }
0x5e: {  	_ =	shalt  }
0x5f: {  	_ =	shalt  }
0x60: {  	_ =	shalt  }
0x61: {  	_ =	shalt  }
0x62: {  	_ =	shalt  }
0x63: {  	_ =	shalt  }
0x64: {  	_ =	shalt  }
0x65: {  	_ =	shalt  }
0x66: {  	_ =	shalt  }
0x67: {  	_ =	shalt  }
0x68: {  	_ =	shalt  }
0x69: {  	_ =	shalt  }
0x6a: {  	_ =	shalt  }
0x6b: {  	_ =	shalt  }
0x6c: {  	_ =	shalt  }
0x6d: {  	_ =	shalt  }
0x6e: {  	_ =	shalt  }
0x6f: {  	_ =	shalt  }
0x70: {  	_ =	shalt  }
0x71: {  	_ =	shalt  }
0x72: {  	_ =	shalt  }
0x73: {  	_ =	shalt  }
0x74: {  	_ =	shalt  }
0x75: {  	_ =	shalt  }
0x76: {  	_ =	shalt  }
0x77: {  	_ =	shalt  }
0x78: {  	_ =	shalt  }
0x79: {  	_ =	shalt  }
0x7a: {  	_ =	shalt  }
0x7b: {  	_ =	shalt  }
0x7c: {  	_ =	shalt  }
0x7d: {  	_ =	shalt  }
0x7e: {  	_ =	shalt  }
0x7f: {  	_ =	shalt  }
0x80: {  	_ =	shalt  }
0x81: {  	_ =	shalt  }
0x82: {  	_ =	shalt  }
0x83: {  	_ =	shalt  }
0x84: {  	_ =	shalt  }
0x85: {  	_ =	shalt  }
0x86: {  	_ =	shalt  }
0x87: {  	_ =	shalt  }
.Lfunc_end0:
.L_simem_size_0:
called_computation_lowered:
.L_overlay_start_0:
0x88: {  	s2 =	sld [smem:$0x3FD9]  }
0x89: {  	s3 =	sld [smem:$0x3FFE];
	_ =	sdelay $0x1  }
0x8a: {  	s1 =	srdreg.scid  }
0x8b: {  	s0 =	sand.u32 $0x1, s1  }
0x8c: {  	s17 =	sshll.u32 s0, $0xA;
	s2 =	sadd.s32 s3, s2  }
0x8d: {  	s2 =	sadd.s32 s2, s17  }
0x8e: {  	[smem:$0x3FC3] =	sst s2  }
0x8f: {  	_ = 	snop  }
0x90: {  	s2 =	sld [smem:$0x3FC9]  }
0x91: {  	s18 =	sld [smem:$0x3FC7];
	(tm) =	ssettm $0x1  }
0x92: {  	s4 =	sld [smem:$0x3FFB];
	_ =	sdelay $0x3  }
0x93: {  	_ =	strace s4  }
0x94: {  	s4 =	sld [smem:$0x3FFC];
	_ =	sdelay $0x3  }
0x95: {  	_ =	strace s4  }
0x96: {  	s4 =	sld [smem:$0x3FFD];
	_ =	sdelay $0x3  }
0x97: {  	_ =	strace s4  }
0x98: {  	_ =	strace $0x8FFFFFFF  }
0x99: {  	s19 =	sld [smem:$0x3FDB];
	_ =	sdelay $0x1  }
0x9a: {  	s5 =	simm.s32 $_scs_section_size  }
0x9b: {  	s6 =	simm.s32 $_size__tile_overlayer_lowered;
	s7 =	simm.s32 $_tile_overlayer_lowered  }
0x9c: {  	s22 =	simm.s32 $0x1BFF;
	s21 =	sshll.u32 s7, $0x1;
	s4 =	sadd.s32 s5, s19  }
0x9d: {  	s8 =	simm.s32 $0x0;
	s20 =	sshll.u32 s6, $0x1;
	s6 =	sadd.s32 s21, s4  }
0x9e: {  	[timem:s8], [sflag:s22] =	dma.local [hbm:s6], s20  }
0x9f: {  	_ =	swait.ge [sflag:s22], s20  }
0xa0: {  	s5 =	ssub.s32 $0x0, s20;
	[sflag:s22] =	ssyncset.done $0x0  }
0xa1: {  	[sflag:s22] =	ssyncadd.s32 s5;
	_ =	sdelay $0x1  }
0xa2: {  	s23 =	simm.s32 $0x1B8B  }
0xa3: {  	_ =	swait.ge [sflag:s23], $0x1  }
0xa4: {  	[sflag:s23] =	ssyncset.done $0x0  }
0xa5: {  	s25 =	simm.s32 $0x1B8E;
	s24 =	sld [smem:$0x3FFE];
	[sflag:s23] =	ssyncadd.s32 $0xFFFFFFFF  }
0xa6: {  	s26 =	simm.s32 $execute0_lowered;
	[smem:$0x3FD2] =	sst s25  }
0xa7: {  	s6 =	sshll.u32 s26, $0x1;
	_ =	strace $0x80000046;
	[dreg:$0x1] =	wrdreg $0xFFFFFFFF  }
0xa8: {  	s28 =	simm.s32 $_size_execute0_lowered;
	s4 =	sadd.s32 s4, s6;
	[dreg:$0x0] =	wrdreg $0x0  }
0xa9: {  	s6 =	sshll.u32 s28, $0x1;
	[dreg:$0x2] =	wrdreg s4  }
0xaa: {  	[dreg:$0x3] =	wrdreg s6  }
0xab: {  	[dreg:$0x4] =	wrdreg $0xC0  }
0xac: {  	_ =	task [dreg:s8], $0x5FFFF  }
0xad: {  	[dreg:$0x1] =	wrdreg $0xFFFFFFFF  }
0xae: {  	[dreg:$0x0] =	wrdreg $0x60  }
0xaf: {  	[dreg:$0x2] =	wrdreg s24  }
0xb0: {  	[dreg:$0x3] =	wrdreg s18  }
0xb1: {  	[dreg:$0x4] =	wrdreg s2  }
0xb2: {  	[dreg:$0x5] =	wrdreg $0xA0000  }
0xb3: {  	[dreg:$0x6] =	wrdreg $0x9  }
0xb4: {  	_ =	task.clear_ibuf [dreg:s8], $0x7FFFF;
	_ =	strace $0x90000046  }
0xb5: {  	s29 =	simm.s32 $0x9;
	_ =	strace $0x80000048  }
0xb6: {  	_ =	swait.ge [sflag:s29], $0x1  }
0xb7: {  	[sflag:s29] =	ssyncadd.s32 $0xFFFFFFFF  }
0xb8: {  	_ =	strace $0x90000048  }
0xb9: {  	_ =	sfence  }
0xba: {  	s30 =	sld [smem:$0x0];
	_ =	sdelay $0x2  }
0xbb: {  	s31 =	sshll.u32 s1, $0xD;
	s1 =	sshrl.u32 s1, $0x2  }
0xbc: {  	s3 =	sand.u32 $0x4000, s31;
	s1 =	sadd.s32 s1, s30  }
0xbd: {  	s0 =	sor.u32 s3, s0;
	s1 =	sshll.u32 s1, $0x11  }
0xbe: {  	s0 =	sor.u32 s1, s0  }
0xbf: {  	s0 =	sadd.s32 $0x8F2B, s0  }
0xc0: {  	[sflag:s0] =	ssyncadd.remote.s32 $0x1  }
0xc1: {  	_ =	sfence.sel $0xFFFF  }
0xc2: {  	[dreg:$0x0] =	wrdreg $0xFFFFFFFF;
	(pc) =	sbr.abs _section_cstart, $3  }
0xc3: {  	[dreg:$0x1] =	wrdreg $0xFFFFFFFF  }
0xc4: {  	_ =	task.clear_ibuf [dreg:s8], $0x2FFFF;
	_ =	strace $0x9FFFFFFF  }
0xc5: {  	(tm) =	ssettm $0x7FFFFFFF  }
tec
execute0_lowered:
.L_overlay_start_1:
0x0: {  	(tag) =	ssettag $0x1  }
0x1: {  	s0 =	rddreg [dreg:$0x0]  }
0x2: {  	s1 =	rddreg [dreg:$0x1]  }
0x3: {  	s16 =	rddreg [dreg:$0x3];
	s3 =	simm.s32 $0x0  }
0x4: {  	s2 =	srdreg.scid;
	s15 =	stileid.u32;
	s17 =	simm.s32 $0x80  }
0x5: {  	s19 =	simm.s32 $0x1;
	s22 =	simm.s32 $0x9E00;
	s23 =	simm.s32 $0x9E80  }
0x6: {  	s24 =	simm.s32 $0x9F00;
	s25 =	simm.s32 $0x9F80;
	s26 =	simm.s32 $0x0  }
0x7: {  	[smem:$0x7FF] =	sst s3;
	s4 =	sadd.s32 $0xC00, s0;
	s5 =	sadd.s32 $0x200, s0  }
0x8: {  	s2 =	sand.u32 $0x1, s2;
	s9 =	sshll.u32 s15, $0x1;
	s6 =	sadd.s32 $0x1600, s0  }
0x9: {  	s8 =	sshrl.u32 s15, $0x1;
	s28 =	sshrl.u32 s15, $0x2;
	p0 =	sne.s32 s15, $0x0  }
0xa: {  	_ =	strace $0x80000047;
	s12 =	sor.u32 s2, s9;
	s2 =	ssub.s32 $0x2, s2  }
0xb: {  	s8 =	sand.u32 $0x6, s8;
	s14 =	sand.u32 $0x10, s9;
	s15 =	sshrl.u32 @!p0 s16, $0x3  }
0xc: {  	s10 =	sshll.u32 s12, $0x1;
	s7 =	sshrl.u32 s2, $0x1;
	s8 =	sadd.s32 s0, s8  }
0xd: {  	s29 =	sshll.u32 s12, $0x7;
	s30 =	sshrl.u32 s14, $0x3;
	s31 =	ssub.s32 s12, s14  }
0xe: {  	s13 =	sadd.s32 s10, s0;
	s2 =	ssub.s32 s2, s7;
	s7 =	sadd.s32 $0x80, s16  }
0xf: {  	s0 =	smul.u32 $0x27400, s28;
	s20 =	sand.u32 $0xE, s10;
	s11 =	sand.u32 $0x380, s29  }
0x10: {  	v0 =	vlaneseq.u32;
	vm3 =	vcmask $0x300;
	s9 =	sadd.s32 s1, s30;
	s18 =	sor.u32 $0x1, s20;
	s13 =	sadd.s32 $0x28A00, s13  }
0x11: {  	v3 =	vmov s31;
	s14 =	smax.u32 s2, $0x1;
	s16 =	sshrl.u32 @!p0 s7, $0x3;
	v2 =	vmov s20;
	s10 =	sor.u32 s11, s0;
	v1 =	vmov s18  }
0x12: {  	vm2 =	veq.s32 v3, v0;
	s11 =	smul.u32 $0x4E800, s12;
	s18 =	simm.s32 $0x100;
	vm1 =	veq.s32 v2, v0;
	s12 =	sadd.s32 $0x9D000, s10;
	vm0 =	veq.s32 v1, v0  }
.LBB2_1:
0x13: {  	s0 =	simm.s32 @!p0 $0x1  }
0x14: {  	s1 =	simm.s32 @!p0 $0x20;
	s2 =	simm.s32 @!p0 $0x10;
	s20 =	simm.s32 @!p0 $0x1C01  }
0x15: {  	[spmem:s15@s1], [sflag:s20] =	dma.strided @!p0 [hbm:s4@s2], $0x9D0, s0, $0x10   }
0x16: {  	_ =	swait.ge @!p0 [sflag:s0], $0x9D0  }
0x17: {  	[sflag:s0] =	ssyncset.done @!p0 $0x0  }
0x18: {  	[sflag:s0] =	ssyncadd.s32 @!p0 $0xFFFFF630  }
0x19: {  	[spmem:s16@s1], [sflag:s20] =	dma.strided @!p0 [hbm:s5@s2], $0x9D0, s0, $0x10   }
0x1a: {  	_ =	swait.ge @!p0 [sflag:s0], $0x9D0  }
0x1b: {  	[sflag:s0] =	ssyncset.done @!p0 $0x0  }
0x1c: {  	[sflag:s0] =	ssyncadd.s32 @!p0 $0xFFFFF630  }
0x1d: {  	[bflag:$0x0] =	sbarrier.arrive $0xFFFF  }
0x1e: {  	s2 =	rddreg [dreg:$0x3]  }
0x1f: {  	[tilespmem:s3], [sflag:$0x1] =	stream.strided.gather [spmem:s2], $0x4E80, s18, s17, $0x38;
	[tilespmem:$0xA9C8] =	vst v63  }
0x20: {  	_ =	swait.ge [sflag:s19], $0x4E80  }
0x21: {  	[sflag:s19] =	ssyncset.done $0x0  }
0x22: {  	s20 =	simm.s32 $0x4E80;
	[sflag:s19] =	ssyncadd.s32 $0xFFFFB180  }
0x23: {  	[tilespmem:s20], [sflag:$0x1] =	stream.strided.gather [spmem:s7], $0x4E80, s18, s17, $0x38;
	[tilespmem:$0xA9C8] =	vst v63  }
0x24: {  	_ =	swait.ge [sflag:s19], $0x4E80  }
0x25: {  	[sflag:s19] =	ssyncset.done $0x0  }
0x26: {  	s21 =	simm.s32 $0x9D00;
	[sflag:s19] =	ssyncadd.s32 $0xFFFFB180  }
0x27: {  	[tilespmem:s21], [sflag:$0x1] =	stream.linear.gather [hbm4b:s8+s3], $0x10, $0x38;
	[tilespmem:$0xA9C8] =	vst v63  }
0x28: {  	_ =	swait.ge [sflag:s19], $0x10  }
0x29: {  	[sflag:s19] =	ssyncset.done $0x0  }
0x2a: {  	[sflag:s19] =	ssyncadd.s32 $0xFFFFFFF0  }
0x2b: {  	v1 =	vld [tilespmem:$0x9D00];
	_ =	sdelay $0x4  }
0x2c: {  	v2 =	vnsel vm1, $0x0, v1  }
0x2d: {  	v1 =	vnsel vm0, $0x0, v1;
	(xrf2) =	vadd.scan.msk.f32 $0xffff, v2  }
0x2e: {  	(xrf2) =	vadd.scan.msk.f32 $0xffff, v1;
	_ =	sdelay $0x8  }
0x2f: {  	v2, _, _ =	vpop (xrf2)  }
0x30: {  	(v2sf) =	vpush v2, $0xF;
	v1, _, _ =	vpop (xrf2)  }
0x31: {  	(v2sf) =	vpush v1, $0xF;
	_ =	sdelay $0xa  }
0x32: {  	v3 =	vld [tilespmem:s3+$0x0]  }
0x33: {  	v4 =	vld [tilespmem:s20+$0x0];
	_ =	sdelay $0x1  }
0x34: {  	s29 =	spop (v2sf)  }
0x35: {  	v2 =	vbroadcast v2, $0xF;
	v1 =	vbroadcast v1, $0xF;
	s28 =	spop (v2sf)  }
0x36: {  	s2 =	ssub.f32 s28, s29  }
0x37: {  	v6 =	vmax.f32 v3, v2;
	v5 =	vmin.f32 v4, v1;
	v4 =	vsub.f32 v4, v3  }
0x38: {  	v5 =	vsub.f32 v5, v6;
	v3 =	vmov s2  }
0x39: {  	s30 =	simm.s32 $0x10;
	v4 =	vadd.f32 v4, v3  }
0x3a: {  	s20 =	simm.s32 $0x4E90;
	v6 =	vld [tilespmem:s30+$0x0];
	v9 =	vmax.f32 v5, $0.0e+00  }
0x3b: {  	v5 =	vld [tilespmem:s20+$0x0];
	v4 =	vsub.f32 v4, v9;
	_ =	sdelay $0x1  }
0x3c: {  	s31 =	simm.s32 $0x20;
	(erf) = vrcp.f32 v4  }
0x3d: {  	s21 =	simm.s32 $0x4EA0;
	v7 =	vld [tilespmem:s31+$0x0]  }
0x3e: {  	v4 =	vld [tilespmem:s21+$0x0]  }
0x3f: {  	v8 =	vsub.f32 v5, v6;
	v5 =	vmin.f32 v5, v1;
	v6 =	vmax.f32 v6, v2  }
0x40: {  	v5 =	vsub.f32 v5, v6  }
0x41: {  	v6 =	vadd.f32 v8, v3  }
0x42: {  	v5 =	vmax.f32 v5, $0.0e+00  }
0x43: {  	s0 =	simm.s32 $0x30;
	v10 =	vmax.f32 v7, v2;
	v11 =	vsub.f32 v6, v5;
	v8 =	vmin.f32 v4, v1  }
0x44: {  	s2 =	simm.s32 $0x4EB0;
	v4 =	vsub.f32 v4, v7;
	v7 =	vsub.f32 v8, v10;
	v10 =	vld [tilespmem:s0+$0x0]  }
0x45: {  	v8 =	vld [tilespmem:s2+$0x0];
	v13 =	vpop (erf);
	(erf) = vrcp.f32 v11  }
0x46: {  	v12 =	vadd.f32 v4, v3  }
0x47: {  	v6 =	vimm.f32 $-1.000000000e+00;
	v7 =	vmax.f32 v7, $0.0e+00  }
0x48: {  	s1 =	simm.s32 $0x0;
	s20 =	simm.s32 $0x40;
	s21 =	simm.s32 $0x40;
	v4 =	vimm.s32 $0x0;
	v11 =	vsub.f32 v12, v7;
	v9 =	vmul.f32 v13, v9  }
.LBB2_2:
0x49: {  	s2 =	sadd.s32 $0x10, s2  }
0x4a: {  	v12 =	vld [tilespmem:s21+$0x0];
	v13 =	vmin.f32 v8, v1;
	v14 =	vmax.f32 v10, v2;
	v15 =	vor.u32 s1, v0;
	s1 =	smov.u32 s30;
	s30 =	smov.u32 s31;
	p1 =	sne.s32 s20, $0x4E10  }
.Ltmp0:
0x4b: {  	v16 =	vsub.f32 v8, v10;
	s31 =	smov.u32 s0;
	s0 =	smov.u32 s20;
	v8 =	vld [tilespmem:s2+$0x0];
	(erf) = vrcp.f32 v11;
	vm4 =	vgt.f32 v9, v6;
	(pc) =	sbr.rel @p1 .LBB2_2-.Ltmp0, $4  }
0x4c: {  	s20 =	sadd.s32 $0x10, s20;
	v11 =	vsub.f32 v13, v14;
	v6 =	vsel vm4, v9, v6;
	v4 =	vsel vm4, v15, v4  }
0x4d: {  	v9 =	vadd.f32 v16, v3  }
0x4e: {  	v13 =	vmax.f32 v11, $0.0e+00;
	v10 =	vpop (erf)  }
0x4f: {  	s21 =	sadd.s32 $0x10, s21;
	v11 =	vsub.f32 v9, v13;
	v9 =	vmul.f32 v10, v5;
	v10 =	vmovc v12;
	v5 =	vmovc v7;
	v7 =	vmov v13  }
0x50: {  	v1 =	vmin.f32 v8, v1;
	v2 =	vmax.f32 v10, v2;
	v61 =	vsub.f32 v8, v10  }
0x51: {  	v1 =	vsub.f32 v1, v2  }
0x52: {  	v2 =	vadd.f32 v61, v3  }
0x53: {  	v1 =	vmax.f32 v1, $0.0e+00  }
0x54: {  	(erf) = vrcp.f32 v11;
	v2 =	vsub.f32 v2, v1;
	_ =	sdelay $0x1  }
0x55: {  	(erf) = vrcp.f32 v2;
	_ =	sdelay $0x4  }
0x56: {  	vm4 =	vgt.f32 v9, v6;
	v2 =	vpop (erf)  }
0x57: {  	v3 =	vsel vm4, v9, v6;
	v2 =	vmul.f32 v2, v5  }
0x58: {  	v62 =	vpop (erf)  }
0x59: {  	vm5 =	vgt.f32 v2, v3;
	v5 =	vmul.f32 v62, v7  }
0x5a: {  	v2 =	vsel vm5, v2, v3;
	v3 =	vpop (erf)  }
0x5b: {  	vm6 =	vgt.f32 v5, v2;
	v1 =	vmul.f32 v3, v1  }
0x5c: {  	v2 =	vsel vm6, v5, v2  }
0x5d: {  	vm7 =	vgt.f32 v1, v2  }
0x5e: {  	v1 =	vsel vm7, v1, v2  }
0x5f: {  	(xrf0) =	vmax.scan.msk.f32 $0xffff, v1;
	_ =	sdelay $0x3  }
0x60: {  	v2 =	vor.u32 s1, v0  }
0x61: {  	v3 =	vor.u32 s30, v0;
	v2 =	vsel vm4, v2, v4  }
0x62: {  	v2 =	vsel vm5, v3, v2;
	v3 =	vor.u32 s31, v0;
	v63, _, _ =	vpop (xrf0)  }
0x63: {  	v2 =	vsel vm6, v3, v2;
	v3 =	vor.u32 s0, v0;
	v4 =	vbroadcast v63, $0xF  }
0x64: {  	v2 =	vsel vm7, v3, v2  }
0x65: {  	vm4 =	veq.f32 v1, v4;
	v1 =	vxor.u32 $0x80000000, v2  }
0x66: {  	v1 =	vnsel vm4, $0xC0000000, v1  }
0x67: {  	(xrf0) =	vmin.scan.msk.u32 $0xffff, v1;
	_ =	sdelay $0x5  }
0x68: {  	v1, _, _ =	vpop (xrf0)  }
0x69: {  	(v2sf) =	vpush v1, $0xF;
	_ =	sdelay $0xc  }
0x6a: {  	s21 =	simm.s32 $0x9D80  }
0x6b: {  	[tilespmem:s21], [sflag:$0x1] =	stream.linear.gather [hbm4b:s9+s3], $0x10, $0x38;
	[tilespmem:$0xA9C8] =	vst v63  }
0x6c: {  	s0 =	spop (v2sf)  }
0x6d: {  	_ =	swait.ge [sflag:s19], $0x10  }
0x6e: {  	[sflag:s19] =	ssyncset.done $0x0  }
0x6f: {  	[sflag:s19] =	ssyncadd.s32 $0xFFFFFFF0  }
0x70: {  	v1 =	vld [tilespmem:$0x9D80];
	_ =	sdelay $0x4  }
0x71: {  	v1 =	vxor.u32 $0x80000000, v1  }
0x72: {  	v1 =	vnsel vm2, $0x80000000, v1  }
0x73: {  	(xrf0) =	vmax.scan.msk.u32 $0xffff, v1;
	_ =	sdelay $0x5  }
0x74: {  	v1, _, _ =	vpop (xrf0)  }
0x75: {  	(v2sf) =	vpush v1, $0xF;
	_ =	sdelay $0x7  }
0x76: {  	s1 =	sxor.u32 $0x80000000, s0  }
0x77: {  	p2 =	sgt.s32 s0, $0xFFFFFFFF;
	s2 =	sand.u32 $0x7F, s0;
	p1 =	slt.s32 s1, $0x1  }
0x78: {  	s20 =	sshra.s32 s1, $0x1F;
	p4 =	sne.s32 s2, $0x0;
	p1 =	por p2, p1  }
0x79: {  	s30 =	sshrl.u32 s20, $0x19;
	p1 =	por !p4, !p1  }
0x7a: {  	s20 =	simm.s32 $0x1;
	s2 =	sadd.s32 s30, s1;
	p1 =	por !p1, !p1  }
0x7b: {  	s2 =	sshra.s32 s2, $0x7;
	s20 =	simm.s32 @!p1 $0x0  }
0x7c: {  	s2 =	ssub.s32 s2, s20  }
0x7d: {  	s0 =	sand.u32 $0xF, s0;
	s21 =	sshll.u32 s2, $0xA;
	s20 =	spop (v2sf)  }
0x7e: {  	s2 =	sshll.u32 s2, $0x7;
	s31 =	sshrl.u32 s20, $0x3;
	s20 =	sshll.u32 s20, $0x7  }
0x7f: {  	s30 =	smul.u32 $0x27400, s31;
	s31 =	sadd.s32 s11, s21;
	s20 =	sand.u32 $0x380, s20  }
0x80: {  	p6 =	sne.s32 s0, $0x0;
	p1 =	sne.s32 s1, s2;
	s20 =	sor.u32 s20, s31  }
0x81: {  	s20 =	sadd.s32 s30, s20;
	s30 =	ssub.s32 s1, s2;
	s1 =	simm.s32 $0x1  }
0x82: {  	s31 =	rddreg [dreg:$0x2];
	s20 =	sshrl.u32 s20, $0x3;
	s1 =	simm.s32 @!p1 $0x0  }
0x83: {  	s20 =	sadd.s32 s31, s20;
	s31 =	sadd.s32 s10, s21;
	s21 =	sadd.s32 s12, s21  }
0x84: {  	[tilespmem:s22], [sflag:$0x1] =	stream.linear.gather [hbm4b:s20+s3], $0x80, $0x38;
	[tilespmem:$0xA9C8] =	vst v63  }
0x85: {  	s20 =	sshrl.u32 s31, $0x3;
	s31 =	sshra.s32 s30, $0x1F;
	_ =	swait.ge [sflag:s19], $0x80  }
0x86: {  	s20 =	sadd.s32 s6, s20;
	s1 =	sor.u32 s1, s31;
	[sflag:s19] =	ssyncset.done $0x0  }
0x87: {  	p5 =	sne.s32 s1, $0x1;
	s1 =	sshrl.u32 s31, $0x1C;
	[sflag:s19] =	ssyncadd.s32 $0xFFFFFF80  }
0x88: {  	[tilespmem:s23], [sflag:$0x1] =	stream.linear.gather [hbm4b:s20+s3], $0x80, $0x38;
	[tilespmem:$0xA9C8] =	vst v63  }
0x89: {  	p1 =	por !p6, !p5;
	s0 =	sadd.s32 s1, s30;
	_ =	swait.ge [sflag:s19], $0x80  }
0x8a: {  	s1 =	simm.s32 $0x1;
	s20 =	sshrl.u32 s21, $0x3;
	[sflag:s19] =	ssyncset.done $0x0  }
0x8b: {  	p1 =	por !p1, !p1;
	s20 =	sadd.s32 s6, s20;
	[sflag:s19] =	ssyncadd.s32 $0xFFFFFF80  }
0x8c: {  	[tilespmem:s24], [sflag:$0x1] =	stream.linear.gather [hbm4b:s20+s3], $0x80, $0x38;
	[tilespmem:$0xA9C8] =	vst v63  }
0x8d: {  	s0 =	sshrl.u32 s0, $0x4;
	s1 =	simm.s32 @!p1 $0x0;
	_ =	swait.ge [sflag:s19], $0x80  }
0x8e: {  	s0 =	ssub.s32 s0, s1;
	[sflag:s19] =	ssyncset.done $0x0  }
0x8f: {  	s0 =	sshll.u32 s0, $0x4;
	[sflag:s19] =	ssyncadd.s32 $0xFFFFFF80  }
0x90: {  	v1 =	vld [tilespmem:s0+$0x9E00]  }
0x91: {  	s2 =	ssub.s32 s30, s0;
	v2 =	vld [tilespmem:s0+$0x9E80]  }
0x92: {  	v3 =	vmov s2  }
0x93: {  	vm4 =	veq.s32 v3, v0;
	v3 =	vld [tilespmem:s0+$0x9F00];
	_ =	sdelay $0x1  }
0x94: {  	v1 =	vnsel vm4, $0x0, v1  }
0x95: {  	(xrf2) =	vadd.scan.msk.f32 $0xffff, v1;
	v1 =	vnsel vm4, $0x0, v2  }
0x96: {  	(xrf2) =	vadd.scan.msk.f32 $0xffff, v1  }
0x97: {  	v1 =	vnsel vm4, $0x0, v3  }
0x98: {  	(xrf2) =	vadd.scan.msk.f32 $0xffff, v1;
	_ =	sdelay $0x6  }
0x99: {  	v1, _, _ =	vpop (xrf2)  }
0x9a: {  	v2, _, _ =	vpop (xrf2);
	(v2sf) =	vpush v1, $0xF  }
0x9b: {  	(v2sf) =	vpush v2, $0xF  }
0x9c: {  	v1, _, _ =	vpop (xrf2)  }
0x9d: {  	(v2sf) =	vpush v1, $0xF;
	_ =	sdelay $0xb  }
0x9e: {  	s0 =	spop (v2sf)  }
0x9f: {  	s20 =	spop (v2sf)  }
0xa0: {  	s1 =	ssub.f32 s20, s29  }
0xa1: {  	s21 =	spop (v2sf)  }
0xa2: {  	s2 =	ssub.f32 s21, s28;
	s30 =	sand.u32 $0x7FFFFFFF, s1  }
0xa3: {  	s29 =	smul.f32 $5.000000000e-01, s1;
	p1 =	slt.f32 s30, $1.000000000e+00  }
0xa4: {  	s31 =	sand.u32 $0x7FFFFFFF, s2;
	s28 =	smul.f32 $5.000000000e-01, s2;
	s21 =	sadd.f32 $-5.000000000e-01, s30  }
0xa5: {  	s1 =	smul.f32 s29, s1;
	p2 =	slt.f32 s31, $1.000000000e+00  }
0xa6: {  	s20 =	sadd.f32 $-5.000000000e-01, s31;
	s2 =	smul.f32 s28, s2  }
0xa7: {  	_ = 	snop  }
0xa8: {  	s21 =	smov.u32 @p1 s1;
	s20 =	smov.u32 @p2 s2  }
0xa9: {  	s1 =	sadd.f32 s20, s21;
	_ =	sdelay $0x1  }
0xaa: {  	s0 =	ssub.f32 s1, s0;
	_ =	sdelay $0x1  }
0xab: {  	s26 =	sadd.s32 $0x1, s26;
	v1 =	vmov s0  }
0xac: {  	p1 =	sne.s32 s26, s14;
	v1 =	vnsel vm3, $0x0, v1  }
.Ltmp1:
0xad: {  	[tilespmem:$0x9F80] =	vst v1;
	(pc) =	sbr.rel @p1 .LBB2_1-.Ltmp1, $4  }
0xae: {  	[hbm4b:s13+s3] =	stream.linear.scatter [tilespmem:s25], [sflag:$0x1], $0x10, $0x38;
	[tilespmem:$0xA9C8] =	vst v63  }
0xaf: {  	_ =	swait.ge [sflag:s19], $0x10  }
0xb0: {  	[sflag:s19] =	ssyncset.done $0x0  }
0xb1: {  	[sflag:s19] =	ssyncadd.s32 $0xFFFFFFF0  }
0xb2: {  	_ =	sfence.sel $0x180000  }
0xb3: {  	[bflag:$0x0] =	sbarrier.arrive $0xFFFF  }
0xb4: {  	_ =	strace $0x90000047  }
0xb5: {  	[bflag:$0x2] =	sbarrier.arrive $0xFFFF  }
0xb6: {  	s0 =	rddreg [dreg:$0x4]  }
0xb7: {  	s0 =	sadd.s32 @!p0 $0x100000, s0  }
0xb8: {  	[sflag:s0] =	ssyncadd.tile.s32 @!p0 $0x1;
	_ =	shalt  }
.Lfunc_end2:
_tile_overlayer_lowered:
.L_overlay_start_2:
0xb9: {  	(tag) =	ssettag $0x2  }
0xba: {  	s0 =	rddreg [dreg:$0x0];
	s2 =	stileid.u32  }
0xbb: {  	s1 =	rddreg [dreg:$0x1];
	p0 =	sne.s32 s2, $0x0  }
0xbc: {  	s3 =	rddreg [dreg:$0x2];
	[bflag:$0x3] =	sbarrier.arrive $0xFFFF;
	s2 =	simm.s32 @!p0 $0x1C01  }
0xbd: {  	[timem:s3], [sflag:s2] =	dma.local @!p0 [hbm:s0], s1  }
0xbe: {  	s0 =	simm.s32 @!p0 $0x1  }
0xbf: {  	_ =	swait.ge @!p0 [sflag:s0], s1  }
0xc0: {  	s1 =	ssub.s32 @!p0 $0x0, s1;
	[sflag:s0] =	ssyncset.done @!p0 $0x0  }
0xc1: {  	[sflag:s0] =	ssyncadd.s32 @!p0 s1  }
0xc2: {  	[bflag:$0x3] =	sbarrier.arrive $0xFFFF  }
0xc3: {  	_ =	shalt  }

</sc_bundles>
